<compile_context>
chip_gen: v7x
topology: tpu7x:2x2x1
jax: 0.10.2.dev20260603
libtpu: 0.0.44.dev20260713+nightly
codegen_flags: <defaults>
</compile_context>

<pallas_src>
import functools
import jax
import jax.numpy as jnp
from jax import lax
from jax.experimental import pallas as pl
from jax.experimental import pallas as pl_mod
from jax.experimental.pallas import tpu as pltpu
from jax.experimental.pallas import tpu_sc as plsc

_C = 25600
_NB = 2
_NW = 32
_L = 16

_LN2 = 0.6931471805599453


def _sc_math(wv, x):
    wA, w5, w1, w2, w4, wKp, tw2, k1, k3, k5, k7, k9 = wv
    a = jnp.abs(x)
    t = jnp.exp(-a)
    t2 = t * t
    inv1 = 1.0 / (1.0 + t)
    inv2 = 1.0 / (1.0 + t2)
    u = t / (2.0 + t)
    u2 = u * u
    poly = u * (k1 + u2 * (k3 + u2 * (k5 + u2 * (k7 + u2 * k9))))
    g = w1 * inv1 + tw2 * inv2
    pos = g - w2
    neg = (wKp + w4 * t) - g
    p = x >= 0.0
    return jnp.where(p, wA, w5) * x + poly + jnp.where(p, pos, neg)


def _make_sc_call(n):
    per_w = n // _NW
    nchunks = per_w // _C
    mesh = plsc.VectorSubcoreMesh(core_axis_name="c", subcore_axis_name="s")

    @functools.partial(
        pl.kernel,
        mesh=mesh,
        out_type=jax.ShapeDtypeStruct((n,), jnp.float32),
        scratch_types=[
            pltpu.VMEM((12, _L), jnp.float32),
            pltpu.VMEM((_NB, _C), jnp.float32),
            pltpu.VMEM((_NB, _C), jnp.float32),
            pltpu.SemaphoreType.DMA((_NB,)),
            pltpu.SemaphoreType.DMA((_NB,)),
        ],
    )
    def sc_call(scal_hbm, x_hbm, o_hbm, wbuf, xbuf, obuf, isems, osems):
        wid = lax.axis_index("s") * 2 + lax.axis_index("c")
        base = wid * per_w
        pltpu.sync_copy(scal_hbm, wbuf)
        wv = [wbuf[i] for i in range(12)]

        def in_copy(i, slot):
            return pltpu.make_async_copy(
                x_hbm.at[pl.ds(base + i * _C, _C)], xbuf.at[slot],
                isems.at[slot])

        def out_copy(i, slot):
            return pltpu.make_async_copy(
                obuf.at[slot], o_hbm.at[pl.ds(base + i * _C, _C)],
                osems.at[slot])

        for slot in range(_NB):
            in_copy(slot, slot).start()

        def group(gi, _):
            for slot in range(_NB):
                i = gi * _NB + slot
                in_copy(i, slot).wait()

                @pl.when(i >= _NB)
                def _():
                    out_copy(i - _NB, slot).wait()

                def vec_body(v, _):
                    x = xbuf[slot, pl.ds(v * _L, _L)]
                    obuf[slot, pl.ds(v * _L, _L)] = _sc_math(wv, x)
                    return 0

                lax.fori_loop(0, _C // _L, vec_body, 0, unroll=1)
                out_copy(i, slot).start()

                @pl.when(i + _NB < nchunks)
                def _():
                    in_copy(i + _NB, slot).start()

            return 0

        lax.fori_loop(0, nchunks // _NB, group, 0)
        for slot in range(_NB):
            out_copy(nchunks - _NB + slot, slot).wait()

    return sc_call


@jax.jit
def kernel(msg, weights):
    n, d = msg.shape
    w = weights
    tot = n * d
    scal = jnp.stack([
        w[0] + w[3] + w[4] + w[5],
        w[5],
        w[1],
        w[2],
        w[4],
        w[1] - w[4] + w[2],
        2.0 * w[2],
        2.0 * w[3],
        2.0 * w[3] / 3.0,
        2.0 * w[3] / 5.0,
        2.0 * w[3] / 7.0,
        2.0 * w[3] / 9.0,
    ])
    scal16 = jnp.tile(scal[:, None], (1, _L))
    out = _make_sc_call(tot)(scal16, msg.reshape(tot))
    return out.reshape(n, d)

# --- scband reference (transcript-rebuilt; emitter-appended) ---
"""Pipeline reference for scband-agg-mix-op-14370960573148 (READ-ONLY COPY).

The authoritative reference and input builder live on the scoring server;
editing this copy changes nothing except your own understanding.
"""

import jax, jax.numpy as jnp
import numpy as np

# AGG_PRIMITIVES / AGG_OPS from the NAS search space: parameter-free elementwise
# aggregation-activation ops applied to the message tensor. We use the common
# 6-op set: relu, sigmoid, tanh, softplus, elu, identity (linear).

def _op_relu(x):
    return jax.nn.relu(x)

def _op_sigmoid(x):
    return jax.nn.sigmoid(x)

def _op_tanh(x):
    return jnp.tanh(x)

def _op_softplus(x):
    return jax.nn.softplus(x)

def _op_elu(x):
    return jax.nn.elu(x)

def _op_identity(x):
    return x

_AGG_OPS = [_op_relu, _op_sigmoid, _op_tanh, _op_softplus, _op_elu, _op_identity]


def setup_inputs(seed: int = 0) -> dict:
    key = jax.random.key(seed)
    k1, k2 = jax.random.split(key)
    msg = jax.random.normal(k1, (320000, 128), dtype=jnp.float32)
    weights = jax.random.uniform(k2, (6,), dtype=jnp.float32)
    return {"msg": msg, "weights": weights}


def reference(msg, weights):
    # mixed_res = [w * op(msg) for w, op in zip(weights, ops)]; return sum(mixed_res)
    mixed = None
    for i, op in enumerate(_AGG_OPS):
        term = weights[i] * op(msg)
        mixed = term if mixed is None else mixed + term
    return mixed

if __name__ == "__main__":
    import jax
    _d = setup_inputs()
    print(jax.jit(kernel)(*tuple(_d.values())))

</pallas_src>

<mosaic_0001>
#map = affine_map<(d0, d1) -> (0, 0)>
#map1 = affine_map<(d0, d1) -> (0)>
module attributes {stable_mosaic.version = 14 : i64} {
  func.func @sc_call(%arg0: i32, %arg1: i32, %arg2: memref<12x16xf32, #tpu.memory_space<hbm>>, %arg3: memref<40960000xf32, #tpu.memory_space<hbm>>, %arg4: memref<40960000xf32, #tpu.memory_space<hbm>>, %arg5: memref<12x16xf32, #tpu.memory_space<vmem>>, %arg6: memref<2x25600xf32, #tpu.memory_space<vmem>>, %arg7: memref<2x25600xf32, #tpu.memory_space<vmem>>, %arg8: memref<2x!tpu.dma_semaphore, #tpu.memory_space<semaphore_mem>>, %arg9: memref<2x!tpu.dma_semaphore, #tpu.memory_space<semaphore_mem>>) attributes {dimension_semantics = [#tpu.dimension_semantics<core_parallel>, #tpu.dimension_semantics<subcore_parallel>], iteration_bounds = array<i64: 2, 16>, scalar_prefetch = 0 : i64, scratch_operands = 5 : i64, tpu.core_type = #tpu.core_type<sc_vector_subcore>, window_params = [{transform_indices = #map}, {transform_indices = #map1}, {transform_indices = #map1}]} {
    %mul3A = arith.constant 2 : i32
    %mul3A_0 = arith.muli %arg1, %mul3A : i32
    %add3A = arith.addi %mul3A_0, %arg0 : i32
    %mul3A_1 = arith.constant 1280000 : i32
    %mul3A_2 = arith.muli %add3A, %mul3A_1 : i32
    "tpu.region"() ({
      %run_scoped3A = tpu.sem_alloc : memref<!tpu.dma_semaphore, #tpu.memory_space<semaphore_mem>>
      tpu.enqueue_dma source(%arg2 : memref<12x16xf32, #tpu.memory_space<hbm>>) target(%arg5 : memref<12x16xf32, #tpu.memory_space<vmem>>) target_semaphore(%run_scoped3A : memref<!tpu.dma_semaphore, #tpu.memory_space<semaphore_mem>>)
      tpu.wait_dma2 semaphore(%run_scoped3A : memref<!tpu.dma_semaphore, #tpu.memory_space<semaphore_mem>>) src(%arg2 : memref<12x16xf32, #tpu.memory_space<hbm>>) dst(%arg5 : memref<12x16xf32, #tpu.memory_space<vmem>>)
      tpu.yield
    }) : () -> ()
    %get3A = arith.constant 0 : i32
    %get3A_3 = arith.index_cast %get3A : i32 to index
    %get3A_4 = arith.constant 0 : index
    %get3A_5 = tpu.vector_load %arg5[%get3A_3, %get3A_4] {strides = array<i32>} : memref<12x16xf32, #tpu.memory_space<vmem>>, vector<1x16xf32>,
    %get3A_6 = vector.shape_cast %get3A_5 : vector<1x16xf32> to vector<16xf32>
    %get3A_7 = arith.constant 1 : i32
    %get3A_8 = arith.index_cast %get3A_7 : i32 to index
    %get3A_9 = arith.constant 0 : index
    %get3A_10 = tpu.vector_load %arg5[%get3A_8, %get3A_9] {strides = array<i32>} : memref<12x16xf32, #tpu.memory_space<vmem>>, vector<1x16xf32>,
    %get3A_11 = vector.shape_cast %get3A_10 : vector<1x16xf32> to vector<16xf32>
    %get3A_12 = arith.constant 2 : i32
    %get3A_13 = arith.index_cast %get3A_12 : i32 to index
    %get3A_14 = arith.constant 0 : index
    %get3A_15 = tpu.vector_load %arg5[%get3A_13, %get3A_14] {strides = array<i32>} : memref<12x16xf32, #tpu.memory_space<vmem>>, vector<1x16xf32>,
    %get3A_16 = vector.shape_cast %get3A_15 : vector<1x16xf32> to vector<16xf32>
    %get3A_17 = arith.constant 3 : i32
    %get3A_18 = arith.index_cast %get3A_17 : i32 to index
    %get3A_19 = arith.constant 0 : index
    %get3A_20 = tpu.vector_load %arg5[%get3A_18, %get3A_19] {strides = array<i32>} : memref<12x16xf32, #tpu.memory_space<vmem>>, vector<1x16xf32>,
    %get3A_21 = vector.shape_cast %get3A_20 : vector<1x16xf32> to vector<16xf32>
    %get3A_22 = arith.constant 4 : i32
    %get3A_23 = arith.index_cast %get3A_22 : i32 to index
    %get3A_24 = arith.constant 0 : index
    %get3A_25 = tpu.vector_load %arg5[%get3A_23, %get3A_24] {strides = array<i32>} : memref<12x16xf32, #tpu.memory_space<vmem>>, vector<1x16xf32>,
    %get3A_26 = vector.shape_cast %get3A_25 : vector<1x16xf32> to vector<16xf32>
    %get3A_27 = arith.constant 5 : i32
    %get3A_28 = arith.index_cast %get3A_27 : i32 to index
    %get3A_29 = arith.constant 0 : index
    %get3A_30 = tpu.vector_load %arg5[%get3A_28, %get3A_29] {strides = array<i32>} : memref<12x16xf32, #tpu.memory_space<vmem>>, vector<1x16xf32>,
    %get3A_31 = vector.shape_cast %get3A_30 : vector<1x16xf32> to vector<16xf32>
    %get3A_32 = arith.constant 6 : i32
    %get3A_33 = arith.index_cast %get3A_32 : i32 to index
    %get3A_34 = arith.constant 0 : index
    %get3A_35 = tpu.vector_load %arg5[%get3A_33, %get3A_34] {strides = array<i32>} : memref<12x16xf32, #tpu.memory_space<vmem>>, vector<1x16xf32>,
    %get3A_36 = vector.shape_cast %get3A_35 : vector<1x16xf32> to vector<16xf32>
    %get3A_37 = arith.constant 7 : i32
    %get3A_38 = arith.index_cast %get3A_37 : i32 to index
    %get3A_39 = arith.constant 0 : index
    %get3A_40 = tpu.vector_load %arg5[%get3A_38, %get3A_39] {strides = array<i32>} : memref<12x16xf32, #tpu.memory_space<vmem>>, vector<1x16xf32>,
    %get3A_41 = vector.shape_cast %get3A_40 : vector<1x16xf32> to vector<16xf32>
    %get3A_42 = arith.constant 8 : i32
    %get3A_43 = arith.index_cast %get3A_42 : i32 to index
    %get3A_44 = arith.constant 0 : index
    %get3A_45 = tpu.vector_load %arg5[%get3A_43, %get3A_44] {strides = array<i32>} : memref<12x16xf32, #tpu.memory_space<vmem>>, vector<1x16xf32>,
    %get3A_46 = vector.shape_cast %get3A_45 : vector<1x16xf32> to vector<16xf32>
    %get3A_47 = arith.constant 9 : i32
    %get3A_48 = arith.index_cast %get3A_47 : i32 to index
    %get3A_49 = arith.constant 0 : index
    %get3A_50 = tpu.vector_load %arg5[%get3A_48, %get3A_49] {strides = array<i32>} : memref<12x16xf32, #tpu.memory_space<vmem>>, vector<1x16xf32>,
    %get3A_51 = vector.shape_cast %get3A_50 : vector<1x16xf32> to vector<16xf32>
    %get3A_52 = arith.constant 10 : i32
    %get3A_53 = arith.index_cast %get3A_52 : i32 to index
    %get3A_54 = arith.constant 0 : index
    %get3A_55 = tpu.vector_load %arg5[%get3A_53, %get3A_54] {strides = array<i32>} : memref<12x16xf32, #tpu.memory_space<vmem>>, vector<1x16xf32>,
    %get3A_56 = vector.shape_cast %get3A_55 : vector<1x16xf32> to vector<16xf32>
    %get3A_57 = arith.constant 11 : i32
    %get3A_58 = arith.index_cast %get3A_57 : i32 to index
    %get3A_59 = arith.constant 0 : index
    %get3A_60 = tpu.vector_load %arg5[%get3A_58, %get3A_59] {strides = array<i32>} : memref<12x16xf32, #tpu.memory_space<vmem>>, vector<1x16xf32>,
    %get3A_61 = vector.shape_cast %get3A_60 : vector<1x16xf32> to vector<16xf32>
    %add3A_62 = arith.constant 0 : i32
    %add3A_63 = arith.addi %mul3A_2, %add3A_62 : i32
    %dma_start3A = arith.constant 0 : i32
    %dma_start3A_64 = arith.constant 0 : i32
    %dma_start3A_65 = arith.constant 0 : i32
    %dma_start3A_66 = tpu.memref_slice %arg6[%dma_start3A, %dma_start3A_65] : memref<2x25600xf32, #tpu.memory_space<vmem>> -> memref<1x25600xf32, #tpu.memory_space<vmem>>
    %dma_start3A_67 = tpu.memref_squeeze %dma_start3A_66 : memref<1x25600xf32, #tpu.memory_space<vmem>> -> memref<25600xf32, #tpu.memory_space<vmem>>
    %dma_start3A_68 = tpu.memref_slice %arg3[%add3A_63] : memref<40960000xf32, #tpu.memory_space<hbm>> -> memref<25600xf32, #tpu.memory_space<hbm>>
    %dma_start3A_69 = tpu.memref_slice %arg8[%dma_start3A_64] : memref<2x!tpu.dma_semaphore, #tpu.memory_space<semaphore_mem>> -> memref<1x!tpu.dma_semaphore, #tpu.memory_space<semaphore_mem>>
    %dma_start3A_70 = tpu.memref_squeeze %dma_start3A_69 : memref<1x!tpu.dma_semaphore, #tpu.memory_space<semaphore_mem>> -> memref<!tpu.dma_semaphore, #tpu.memory_space<semaphore_mem>>
    %dma_start3A_71 = arith.constant 0 : i32
    %dma_start3A_72 = tpu.memref_slice %arg6[%dma_start3A, %dma_start3A_71] : memref<2x25600xf32, #tpu.memory_space<vmem>> -> memref<1x25600xf32, #tpu.memory_space<vmem>>
    %dma_start3A_73 = tpu.memref_squeeze %dma_start3A_72 : memref<1x25600xf32, #tpu.memory_space<vmem>> -> memref<25600xf32, #tpu.memory_space<vmem>>
    %dma_start3A_74 = tpu.memref_slice %arg3[%add3A_63] : memref<40960000xf32, #tpu.memory_space<hbm>> -> memref<25600xf32, #tpu.memory_space<hbm>>
    tpu.enqueue_dma source(%dma_start3A_74 : memref<25600xf32, #tpu.memory_space<hbm>>) target(%dma_start3A_73 : memref<25600xf32, #tpu.memory_space<vmem>>) target_semaphore(%dma_start3A_70 : memref<!tpu.dma_semaphore, #tpu.memory_space<semaphore_mem>>)
    %add3A_75 = arith.constant 25600 : i32
    %add3A_76 = arith.addi %mul3A_2, %add3A_75 : i32
    %dma_start3A_77 = arith.constant 1 : i32
    %dma_start3A_78 = arith.constant 1 : i32
    %dma_start3A_79 = arith.constant 0 : i32
    %dma_start3A_80 = tpu.memref_slice %arg6[%dma_start3A_77, %dma_start3A_79] : memref<2x25600xf32, #tpu.memory_space<vmem>> -> memref<1x25600xf32, #tpu.memory_space<vmem>>
    %dma_start3A_81 = tpu.memref_squeeze %dma_start3A_80 : memref<1x25600xf32, #tpu.memory_space<vmem>> -> memref<25600xf32, #tpu.memory_space<vmem>>
    %dma_start3A_82 = tpu.memref_slice %arg3[%add3A_76] : memref<40960000xf32, #tpu.memory_space<hbm>> -> memref<25600xf32, #tpu.memory_space<hbm>>
    %dma_start3A_83 = tpu.memref_slice %arg8[%dma_start3A_78] : memref<2x!tpu.dma_semaphore, #tpu.memory_space<semaphore_mem>> -> memref<1x!tpu.dma_semaphore, #tpu.memory_space<semaphore_mem>>
    %dma_start3A_84 = tpu.memref_squeeze %dma_start3A_83 : memref<1x!tpu.dma_semaphore, #tpu.memory_space<semaphore_mem>> -> memref<!tpu.dma_semaphore, #tpu.memory_space<semaphore_mem>>
    %dma_start3A_85 = arith.constant 0 : i32
    %dma_start3A_86 = tpu.memref_slice %arg6[%dma_start3A_77, %dma_start3A_85] : memref<2x25600xf32, #tpu.memory_space<vmem>> -> memref<1x25600xf32, #tpu.memory_space<vmem>>
    %dma_start3A_87 = tpu.memref_squeeze %dma_start3A_86 : memref<1x25600xf32, #tpu.memory_space<vmem>> -> memref<25600xf32, #tpu.memory_space<vmem>>
    %dma_start3A_88 = tpu.memref_slice %arg3[%add3A_76] : memref<40960000xf32, #tpu.memory_space<hbm>> -> memref<25600xf32, #tpu.memory_space<hbm>>
    tpu.enqueue_dma source(%dma_start3A_88 : memref<25600xf32, #tpu.memory_space<hbm>>) target(%dma_start3A_87 : memref<25600xf32, #tpu.memory_space<vmem>>) target_semaphore(%dma_start3A_84 : memref<!tpu.dma_semaphore, #tpu.memory_space<semaphore_mem>>)
    %scan3A = arith.constant 0 : i32
    %scan3A_89 = arith.constant 0 : i32
    %scan3A_90 = arith.constant 25 : i32
    %scan3A_91 = arith.addi %scan3A_89, %scan3A_90 : i32
    %scan3A_92 = arith.constant 1 : i32
    %scan3A_93 = scf.for %scan3A_122 = %scan3A_89 to %scan3A_91 step %scan3A_92 iter_args(%scan3A_123 = %scan3A) -> (i32)  : i32 {
      %mul3A_124 = arith.constant 2 : i32
      %mul3A_125 = arith.muli %scan3A_122, %mul3A_124 : i32
      %add3A_126 = arith.constant 0 : i32
      %add3A_127 = arith.addi %mul3A_125, %add3A_126 : i32
      %mul3A_128 = arith.constant 25600 : i32
      %mul3A_129 = arith.muli %add3A_127, %mul3A_128 : i32
      %add3A_130 = arith.addi %mul3A_2, %mul3A_129 : i32
      %dma_wait3A_131 = arith.constant 0 : i32
      %dma_wait3A_132 = arith.constant 0 : i32
      %dma_wait3A_133 = arith.constant 0 : i32
      %dma_wait3A_134 = tpu.memref_slice %arg6[%dma_wait3A_131, %dma_wait3A_133] : memref<2x25600xf32, #tpu.memory_space<vmem>> -> memref<1x25600xf32, #tpu.memory_space<vmem>>
      %dma_wait3A_135 = tpu.memref_squeeze %dma_wait3A_134 : memref<1x25600xf32, #tpu.memory_space<vmem>> -> memref<25600xf32, #tpu.memory_space<vmem>>
      %dma_wait3A_136 = tpu.memref_slice %arg3[%add3A_130] : memref<40960000xf32, #tpu.memory_space<hbm>> -> memref<25600xf32, #tpu.memory_space<hbm>>
      %dma_wait3A_137 = tpu.memref_slice %arg8[%dma_wait3A_132] : memref<2x!tpu.dma_semaphore, #tpu.memory_space<semaphore_mem>> -> memref<1x!tpu.dma_semaphore, #tpu.memory_space<semaphore_mem>>
      %dma_wait3A_138 = tpu.memref_squeeze %dma_wait3A_137 : memref<1x!tpu.dma_semaphore, #tpu.memory_space<semaphore_mem>> -> memref<!tpu.dma_semaphore, #tpu.memory_space<semaphore_mem>>
      %dma_wait3A_139 = arith.constant 0 : i32
      %dma_wait3A_140 = tpu.memref_slice %arg6[%dma_wait3A_131, %dma_wait3A_139] : memref<2x25600xf32, #tpu.memory_space<vmem>> -> memref<1x25600xf32, #tpu.memory_space<vmem>>
      %dma_wait3A_141 = tpu.memref_squeeze %dma_wait3A_140 : memref<1x25600xf32, #tpu.memory_space<vmem>> -> memref<25600xf32, #tpu.memory_space<vmem>>
      %dma_wait3A_142 = tpu.memref_slice %arg3[%add3A_130] : memref<40960000xf32, #tpu.memory_space<hbm>> -> memref<25600xf32, #tpu.memory_space<hbm>>
      tpu.wait_dma2 semaphore(%dma_wait3A_138 : memref<!tpu.dma_semaphore, #tpu.memory_space<semaphore_mem>>) src(%dma_wait3A_142 : memref<25600xf32, #tpu.memory_space<hbm>>) dst(%dma_wait3A_141 : memref<25600xf32, #tpu.memory_space<vmem>>)
      %ge3A = arith.constant 2 : i32
      %ge3A_143 = arith.cmpi sge, %add3A_127, %ge3A : i32
      %convert_element_type3A = arith.extui %ge3A_143 : i1 to i32
      %cond3A = arith.constant 0 : i32
      %cond3A_144 = arith.cmpi ne, %convert_element_type3A, %cond3A : i32
      scf.if %cond3A_144 {
        %sub3A = arith.constant 2 : i32
        %sub3A_227 = arith.subi %add3A_127, %sub3A : i32
        %mul3A_228 = arith.constant 25600 : i32
        %mul3A_229 = arith.muli %sub3A_227, %mul3A_228 : i32
        %add3A_230 = arith.addi %mul3A_2, %mul3A_229 : i32
        %dma_wait3A_231 = arith.constant 0 : i32
        %dma_wait3A_232 = arith.constant 0 : i32
        %dma_wait3A_233 = arith.constant 0 : i32
        %dma_wait3A_234 = tpu.memref_slice %arg7[%dma_wait3A_231, %dma_wait3A_233] : memref<2x25600xf32, #tpu.memory_space<vmem>> -> memref<1x25600xf32, #tpu.memory_space<vmem>>
        %dma_wait3A_235 = tpu.memref_squeeze %dma_wait3A_234 : memref<1x25600xf32, #tpu.memory_space<vmem>> -> memref<25600xf32, #tpu.memory_space<vmem>>
        %dma_wait3A_236 = tpu.memref_slice %arg4[%add3A_230] : memref<40960000xf32, #tpu.memory_space<hbm>> -> memref<25600xf32, #tpu.memory_space<hbm>>
        %dma_wait3A_237 = tpu.memref_slice %arg9[%dma_wait3A_232] : memref<2x!tpu.dma_semaphore, #tpu.memory_space<semaphore_mem>> -> memref<1x!tpu.dma_semaphore, #tpu.memory_space<semaphore_mem>>
        %dma_wait3A_238 = tpu.memref_squeeze %dma_wait3A_237 : memref<1x!tpu.dma_semaphore, #tpu.memory_space<semaphore_mem>> -> memref<!tpu.dma_semaphore, #tpu.memory_space<semaphore_mem>>
        %dma_wait3A_239 = tpu.memref_slice %arg4[%add3A_230] : memref<40960000xf32, #tpu.memory_space<hbm>> -> memref<25600xf32, #tpu.memory_space<hbm>>
        %dma_wait3A_240 = arith.constant 0 : i32
        %dma_wait3A_241 = tpu.memref_slice %arg7[%dma_wait3A_231, %dma_wait3A_240] : memref<2x25600xf32, #tpu.memory_space<vmem>> -> memref<1x25600xf32, #tpu.memory_space<vmem>>
        %dma_wait3A_242 = tpu.memref_squeeze %dma_wait3A_241 : memref<1x25600xf32, #tpu.memory_space<vmem>> -> memref<25600xf32, #tpu.memory_space<vmem>>
        tpu.wait_dma2 semaphore(%dma_wait3A_238 : memref<!tpu.dma_semaphore, #tpu.memory_space<semaphore_mem>>) src(%dma_wait3A_242 : memref<25600xf32, #tpu.memory_space<vmem>>) dst(%dma_wait3A_239 : memref<25600xf32, #tpu.memory_space<hbm>>)
      } else {
      }
      %scan3A_145 = arith.constant 0 : i32
      %scan3A_146 = arith.constant 0 : i32
      %scan3A_147 = arith.constant 1600 : i32
      %scan3A_148 = arith.addi %scan3A_146, %scan3A_147 : i32
      %scan3A_149 = arith.constant 1 : i32
      %scan3A_150 = scf.for %scan3A_227 = %scan3A_146 to %scan3A_148 step %scan3A_149 iter_args(%scan3A_228 = %scan3A_145) -> (i32)  : i32 {
        %mul3A_229 = arith.constant 16 : i32
        %mul3A_230 = arith.muli %scan3A_227, %mul3A_229 : i32
        %get3A_231 = arith.constant 0 : i32
        %get3A_232 = arith.index_cast %get3A_231 : i32 to index
        %get3A_233 = arith.index_cast %mul3A_230 : i32 to index
        %get3A_234 = tpu.vector_load %arg6[%get3A_232, %get3A_233] {strides = array<i32>} : memref<2x25600xf32, #tpu.memory_space<vmem>>, vector<1x16xf32>,
        %get3A_235 = vector.shape_cast %get3A_234 : vector<1x16xf32> to vector<16xf32>
        %abs3A = math.absf %get3A_235 : vector<16xf32>
        %neg3A = arith.constant 0.000000e+00 : f32
        %neg3A_236 = vector.broadcast %neg3A : f32 to vector<16xf32>
        %neg3A_237 = arith.subf %neg3A_236, %abs3A : vector<16xf32>
        %exp3A = math.exp %neg3A_237 : vector<16xf32>
        %mul3A_238 = arith.mulf %exp3A, %exp3A : vector<16xf32>
        %add3A_239 = arith.constant 1.000000e+00 : f32
        %add3A_240 = vector.broadcast %add3A_239 : f32 to vector<16xf32>
        %add3A_241 = arith.addf %add3A_240, %exp3A : vector<16xf32>
        %div3A = arith.constant 1.000000e+00 : f32
        %div3A_242 = vector.broadcast %div3A : f32 to vector<16xf32>
        %div3A_243 = arith.divf %div3A_242, %add3A_241 : vector<16xf32>
        %add3A_244 = arith.constant 1.000000e+00 : f32
        %add3A_245 = vector.broadcast %add3A_244 : f32 to vector<16xf32>
        %add3A_246 = arith.addf %add3A_245, %mul3A_238 : vector<16xf32>
        %div3A_247 = arith.constant 1.000000e+00 : f32
        %div3A_248 = vector.broadcast %div3A_247 : f32 to vector<16xf32>
        %div3A_249 = arith.divf %div3A_248, %add3A_246 : vector<16xf32>
        %add3A_250 = arith.constant 2.000000e+00 : f32
        %add3A_251 = vector.broadcast %add3A_250 : f32 to vector<16xf32>
        %add3A_252 = arith.addf %add3A_251, %exp3A : vector<16xf32>
        %div3A_253 = arith.divf %exp3A, %add3A_252 : vector<16xf32>
        %mul3A_254 = arith.mulf %div3A_253, %div3A_253 : vector<16xf32>
        %mul3A_255 = arith.mulf %mul3A_254, %get3A_61 : vector<16xf32>
        %add3A_256 = arith.addf %get3A_56, %mul3A_255 : vector<16xf32>
        %mul3A_257 = arith.mulf %mul3A_254, %add3A_256 : vector<16xf32>
        %add3A_258 = arith.addf %get3A_51, %mul3A_257 : vector<16xf32>
        %mul3A_259 = arith.mulf %mul3A_254, %add3A_258 : vector<16xf32>
        %add3A_260 = arith.addf %get3A_46, %mul3A_259 : vector<16xf32>
        %mul3A_261 = arith.mulf %mul3A_254, %add3A_260 : vector<16xf32>
        %add3A_262 = arith.addf %get3A_41, %mul3A_261 : vector<16xf32>
        %mul3A_263 = arith.mulf %div3A_253, %add3A_262 : vector<16xf32>
        %mul3A_264 = arith.mulf %get3A_16, %div3A_243 : vector<16xf32>
        %mul3A_265 = arith.mulf %get3A_36, %div3A_249 : vector<16xf32>
        %add3A_266 = arith.addf %mul3A_264, %mul3A_265 : vector<16xf32>
        %sub3A = arith.subf %add3A_266, %get3A_21 : vector<16xf32>
        %mul3A_267 = arith.mulf %get3A_26, %exp3A : vector<16xf32>
        %add3A_268 = arith.addf %get3A_31, %mul3A_267 : vector<16xf32>
        %sub3A_269 = arith.subf %add3A_268, %add3A_266 : vector<16xf32>
        %ge3A_270 = arith.constant 0.000000e+00 : f32
        %ge3A_271 = vector.broadcast %ge3A_270 : f32 to vector<16xf32>
        %ge3A_272 = arith.cmpf oge, %get3A_235, %ge3A_271 : vector<16xf32>
        %select_n3A = arith.select %ge3A_272, %get3A_6, %get3A_11 : vector<16xi1>, vector<16xf32>
        %mul3A_273 = arith.mulf %select_n3A, %get3A_235 : vector<16xf32>
        %add3A_274 = arith.addf %mul3A_273, %mul3A_263 : vector<16xf32>
        %select_n3A_275 = arith.select %ge3A_272, %sub3A, %sub3A_269 : vector<16xi1>, vector<16xf32>
        %add3A_276 = arith.addf %add3A_274, %select_n3A_275 : vector<16xf32>
        %mul3A_277 = arith.constant 16 : i32
        %mul3A_278 = arith.muli %scan3A_227, %mul3A_277 : i32
        %swap3A = arith.constant 0 : i32
        %swap3A_279 = arith.index_cast %swap3A : i32 to index
        %swap3A_280 = arith.index_cast %mul3A_278 : i32 to index
        %swap3A_281 = tpu.vector_load %arg7[%swap3A_279, %swap3A_280] {strides = array<i32>} : memref<2x25600xf32, #tpu.memory_space<vmem>>, vector<1x16xf32>,
        %swap3A_282 = vector.shape_cast %swap3A_281 : vector<1x16xf32> to vector<16xf32>
        %swap3A_283 = vector.shape_cast %add3A_276 : vector<16xf32> to vector<1x16xf32>
        tpu.vector_store %arg7[%swap3A_279, %swap3A_280], %swap3A_283 {strides = array<i32>} : memref<2x25600xf32, #tpu.memory_space<vmem>>, vector<1x16xf32>,
        %scan3A_284 = arith.constant 0 : i32
        scf.yield %scan3A_284 : i32
      }
      %scan3A_151 = arith.constant 1600 : i32
      %mul3A_152 = arith.constant 25600 : i32
      %mul3A_153 = arith.muli %add3A_127, %mul3A_152 : i32
      %add3A_154 = arith.addi %mul3A_2, %mul3A_153 : i32
      %dma_start3A_155 = arith.constant 0 : i32
      %dma_start3A_156 = arith.constant 0 : i32
      %dma_start3A_157 = arith.constant 0 : i32
      %dma_start3A_158 = tpu.memref_slice %arg7[%dma_start3A_155, %dma_start3A_157] : memref<2x25600xf32, #tpu.memory_space<vmem>> -> memref<1x25600xf32, #tpu.memory_space<vmem>>
      %dma_start3A_159 = tpu.memref_squeeze %dma_start3A_158 : memref<1x25600xf32, #tpu.memory_space<vmem>> -> memref<25600xf32, #tpu.memory_space<vmem>>
      %dma_start3A_160 = tpu.memref_slice %arg4[%add3A_154] : memref<40960000xf32, #tpu.memory_space<hbm>> -> memref<25600xf32, #tpu.memory_space<hbm>>
      %dma_start3A_161 = tpu.memref_slice %arg9[%dma_start3A_156] : memref<2x!tpu.dma_semaphore, #tpu.memory_space<semaphore_mem>> -> memref<1x!tpu.dma_semaphore, #tpu.memory_space<semaphore_mem>>
      %dma_start3A_162 = tpu.memref_squeeze %dma_start3A_161 : memref<1x!tpu.dma_semaphore, #tpu.memory_space<semaphore_mem>> -> memref<!tpu.dma_semaphore, #tpu.memory_space<semaphore_mem>>
      %dma_start3A_163 = tpu.memref_slice %arg4[%add3A_154] : memref<40960000xf32, #tpu.memory_space<hbm>> -> memref<25600xf32, #tpu.memory_space<hbm>>
      %dma_start3A_164 = arith.constant 0 : i32
      %dma_start3A_165 = tpu.memref_slice %arg7[%dma_start3A_155, %dma_start3A_164] : memref<2x25600xf32, #tpu.memory_space<vmem>> -> memref<1x25600xf32, #tpu.memory_space<vmem>>
      %dma_start3A_166 = tpu.memref_squeeze %dma_start3A_165 : memref<1x25600xf32, #tpu.memory_space<vmem>> -> memref<25600xf32, #tpu.memory_space<vmem>>
      tpu.enqueue_dma source(%dma_start3A_166 : memref<25600xf32, #tpu.memory_space<vmem>>) target(%dma_start3A_163 : memref<25600xf32, #tpu.memory_space<hbm>>) target_semaphore(%dma_start3A_162 : memref<!tpu.dma_semaphore, #tpu.memory_space<semaphore_mem>>)
      %add3A_167 = arith.constant 2 : i32
      %add3A_168 = arith.addi %add3A_127, %add3A_167 : i32
      %lt3A = arith.constant 50 : i32
      %lt3A_169 = arith.cmpi slt, %add3A_168, %lt3A : i32
      %convert_element_type3A_170 = arith.extui %lt3A_169 : i1 to i32
      %cond3A_171 = arith.constant 0 : i32
      %cond3A_172 = arith.cmpi ne, %convert_element_type3A_170, %cond3A_171 : i32
      scf.if %cond3A_172 {
        %add3A_227 = arith.constant 2 : i32
        %add3A_228 = arith.addi %add3A_127, %add3A_227 : i32
        %mul3A_229 = arith.constant 25600 : i32
        %mul3A_230 = arith.muli %add3A_228, %mul3A_229 : i32
        %add3A_231 = arith.addi %mul3A_2, %mul3A_230 : i32
        %dma_start3A_232 = arith.constant 0 : i32
        %dma_start3A_233 = arith.constant 0 : i32
        %dma_start3A_234 = arith.constant 0 : i32
        %dma_start3A_235 = tpu.memref_slice %arg6[%dma_start3A_232, %dma_start3A_234] : memref<2x25600xf32, #tpu.memory_space<vmem>> -> memref<1x25600xf32, #tpu.memory_space<vmem>>
        %dma_start3A_236 = tpu.memref_squeeze %dma_start3A_235 : memref<1x25600xf32, #tpu.memory_space<vmem>> -> memref<25600xf32, #tpu.memory_space<vmem>>
        %dma_start3A_237 = tpu.memref_slice %arg3[%add3A_231] : memref<40960000xf32, #tpu.memory_space<hbm>> -> memref<25600xf32, #tpu.memory_space<hbm>>
        %dma_start3A_238 = tpu.memref_slice %arg8[%dma_start3A_233] : memref<2x!tpu.dma_semaphore, #tpu.memory_space<semaphore_mem>> -> memref<1x!tpu.dma_semaphore, #tpu.memory_space<semaphore_mem>>
        %dma_start3A_239 = tpu.memref_squeeze %dma_start3A_238 : memref<1x!tpu.dma_semaphore, #tpu.memory_space<semaphore_mem>> -> memref<!tpu.dma_semaphore, #tpu.memory_space<semaphore_mem>>
        %dma_start3A_240 = arith.constant 0 : i32
        %dma_start3A_241 = tpu.memref_slice %arg6[%dma_start3A_232, %dma_start3A_240] : memref<2x25600xf32, #tpu.memory_space<vmem>> -> memref<1x25600xf32, #tpu.memory_space<vmem>>
        %dma_start3A_242 = tpu.memref_squeeze %dma_start3A_241 : memref<1x25600xf32, #tpu.memory_space<vmem>> -> memref<25600xf32, #tpu.memory_space<vmem>>
        %dma_start3A_243 = tpu.memref_slice %arg3[%add3A_231] : memref<40960000xf32, #tpu.memory_space<hbm>> -> memref<25600xf32, #tpu.memory_space<hbm>>
        tpu.enqueue_dma source(%dma_start3A_243 : memref<25600xf32, #tpu.memory_space<hbm>>) target(%dma_start3A_242 : memref<25600xf32, #tpu.memory_space<vmem>>) target_semaphore(%dma_start3A_239 : memref<!tpu.dma_semaphore, #tpu.memory_space<semaphore_mem>>)
      } else {
      }
      %mul3A_173 = arith.constant 2 : i32
      %mul3A_174 = arith.muli %scan3A_122, %mul3A_173 : i32
      %add3A_175 = arith.constant 1 : i32
      %add3A_176 = arith.addi %mul3A_174, %add3A_175 : i32
      %mul3A_177 = arith.constant 25600 : i32
      %mul3A_178 = arith.muli %add3A_176, %mul3A_177 : i32
      %add3A_179 = arith.addi %mul3A_2, %mul3A_178 : i32
      %dma_wait3A_180 = arith.constant 1 : i32
      %dma_wait3A_181 = arith.constant 1 : i32
      %dma_wait3A_182 = arith.constant 0 : i32
      %dma_wait3A_183 = tpu.memref_slice %arg6[%dma_wait3A_180, %dma_wait3A_182] : memref<2x25600xf32, #tpu.memory_space<vmem>> -> memref<1x25600xf32, #tpu.memory_space<vmem>>
      %dma_wait3A_184 = tpu.memref_squeeze %dma_wait3A_183 : memref<1x25600xf32, #tpu.memory_space<vmem>> -> memref<25600xf32, #tpu.memory_space<vmem>>
      %dma_wait3A_185 = tpu.memref_slice %arg3[%add3A_179] : memref<40960000xf32, #tpu.memory_space<hbm>> -> memref<25600xf32, #tpu.memory_space<hbm>>
      %dma_wait3A_186 = tpu.memref_slice %arg8[%dma_wait3A_181] : memref<2x!tpu.dma_semaphore, #tpu.memory_space<semaphore_mem>> -> memref<1x!tpu.dma_semaphore, #tpu.memory_space<semaphore_mem>>
      %dma_wait3A_187 = tpu.memref_squeeze %dma_wait3A_186 : memref<1x!tpu.dma_semaphore, #tpu.memory_space<semaphore_mem>> -> memref<!tpu.dma_semaphore, #tpu.memory_space<semaphore_mem>>
      %dma_wait3A_188 = arith.constant 0 : i32
      %dma_wait3A_189 = tpu.memref_slice %arg6[%dma_wait3A_180, %dma_wait3A_188] : memref<2x25600xf32, #tpu.memory_space<vmem>> -> memref<1x25600xf32, #tpu.memory_space<vmem>>
      %dma_wait3A_190 = tpu.memref_squeeze %dma_wait3A_189 : memref<1x25600xf32, #tpu.memory_space<vmem>> -> memref<25600xf32, #tpu.memory_space<vmem>>
      %dma_wait3A_191 = tpu.memref_slice %arg3[%add3A_179] : memref<40960000xf32, #tpu.memory_space<hbm>> -> memref<25600xf32, #tpu.memory_space<hbm>>
      tpu.wait_dma2 semaphore(%dma_wait3A_187 : memref<!tpu.dma_semaphore, #tpu.memory_space<semaphore_mem>>) src(%dma_wait3A_191 : memref<25600xf32, #tpu.memory_space<hbm>>) dst(%dma_wait3A_190 : memref<25600xf32, #tpu.memory_space<vmem>>)
      %ge3A_192 = arith.constant 2 : i32
      %ge3A_193 = arith.cmpi sge, %add3A_176, %ge3A_192 : i32
      %convert_element_type3A_194 = arith.extui %ge3A_193 : i1 to i32
      %cond3A_195 = arith.constant 0 : i32
      %cond3A_196 = arith.cmpi ne, %convert_element_type3A_194, %cond3A_195 : i32
      scf.if %cond3A_196 {
        %sub3A = arith.constant 2 : i32
        %sub3A_227 = arith.subi %add3A_176, %sub3A : i32
        %mul3A_228 = arith.constant 25600 : i32
        %mul3A_229 = arith.muli %sub3A_227, %mul3A_228 : i32
        %add3A_230 = arith.addi %mul3A_2, %mul3A_229 : i32
        %dma_wait3A_231 = arith.constant 1 : i32
        %dma_wait3A_232 = arith.constant 1 : i32
        %dma_wait3A_233 = arith.constant 0 : i32
        %dma_wait3A_234 = tpu.memref_slice %arg7[%dma_wait3A_231, %dma_wait3A_233] : memref<2x25600xf32, #tpu.memory_space<vmem>> -> memref<1x25600xf32, #tpu.memory_space<vmem>>
        %dma_wait3A_235 = tpu.memref_squeeze %dma_wait3A_234 : memref<1x25600xf32, #tpu.memory_space<vmem>> -> memref<25600xf32, #tpu.memory_space<vmem>>
        %dma_wait3A_236 = tpu.memref_slice %arg4[%add3A_230] : memref<40960000xf32, #tpu.memory_space<hbm>> -> memref<25600xf32, #tpu.memory_space<hbm>>
        %dma_wait3A_237 = tpu.memref_slice %arg9[%dma_wait3A_232] : memref<2x!tpu.dma_semaphore, #tpu.memory_space<semaphore_mem>> -> memref<1x!tpu.dma_semaphore, #tpu.memory_space<semaphore_mem>>
        %dma_wait3A_238 = tpu.memref_squeeze %dma_wait3A_237 : memref<1x!tpu.dma_semaphore, #tpu.memory_space<semaphore_mem>> -> memref<!tpu.dma_semaphore, #tpu.memory_space<semaphore_mem>>
        %dma_wait3A_239 = tpu.memref_slice %arg4[%add3A_230] : memref<40960000xf32, #tpu.memory_space<hbm>> -> memref<25600xf32, #tpu.memory_space<hbm>>
        %dma_wait3A_240 = arith.constant 0 : i32
        %dma_wait3A_241 = tpu.memref_slice %arg7[%dma_wait3A_231, %dma_wait3A_240] : memref<2x25600xf32, #tpu.memory_space<vmem>> -> memref<1x25600xf32, #tpu.memory_space<vmem>>
        %dma_wait3A_242 = tpu.memref_squeeze %dma_wait3A_241 : memref<1x25600xf32, #tpu.memory_space<vmem>> -> memref<25600xf32, #tpu.memory_space<vmem>>
        tpu.wait_dma2 semaphore(%dma_wait3A_238 : memref<!tpu.dma_semaphore, #tpu.memory_space<semaphore_mem>>) src(%dma_wait3A_242 : memref<25600xf32, #tpu.memory_space<vmem>>) dst(%dma_wait3A_239 : memref<25600xf32, #tpu.memory_space<hbm>>)
      } else {
      }
      %scan3A_197 = arith.constant 0 : i32
      %scan3A_198 = arith.constant 0 : i32
      %scan3A_199 = arith.constant 1600 : i32
      %scan3A_200 = arith.addi %scan3A_198, %scan3A_199 : i32
      %scan3A_201 = arith.constant 1 : i32
      %scan3A_202 = scf.for %scan3A_227 = %scan3A_198 to %scan3A_200 step %scan3A_201 iter_args(%scan3A_228 = %scan3A_197) -> (i32)  : i32 {
        %mul3A_229 = arith.constant 16 : i32
        %mul3A_230 = arith.muli %scan3A_227, %mul3A_229 : i32
        %get3A_231 = arith.constant 1 : i32
        %get3A_232 = arith.index_cast %get3A_231 : i32 to index
        %get3A_233 = arith.index_cast %mul3A_230 : i32 to index
        %get3A_234 = tpu.vector_load %arg6[%get3A_232, %get3A_233] {strides = array<i32>} : memref<2x25600xf32, #tpu.memory_space<vmem>>, vector<1x16xf32>,
        %get3A_235 = vector.shape_cast %get3A_234 : vector<1x16xf32> to vector<16xf32>
        %abs3A = math.absf %get3A_235 : vector<16xf32>
        %neg3A = arith.constant 0.000000e+00 : f32
        %neg3A_236 = vector.broadcast %neg3A : f32 to vector<16xf32>
        %neg3A_237 = arith.subf %neg3A_236, %abs3A : vector<16xf32>
        %exp3A = math.exp %neg3A_237 : vector<16xf32>
        %mul3A_238 = arith.mulf %exp3A, %exp3A : vector<16xf32>
        %add3A_239 = arith.constant 1.000000e+00 : f32
        %add3A_240 = vector.broadcast %add3A_239 : f32 to vector<16xf32>
        %add3A_241 = arith.addf %add3A_240, %exp3A : vector<16xf32>
        %div3A = arith.constant 1.000000e+00 : f32
        %div3A_242 = vector.broadcast %div3A : f32 to vector<16xf32>
        %div3A_243 = arith.divf %div3A_242, %add3A_241 : vector<16xf32>
        %add3A_244 = arith.constant 1.000000e+00 : f32
        %add3A_245 = vector.broadcast %add3A_244 : f32 to vector<16xf32>
        %add3A_246 = arith.addf %add3A_245, %mul3A_238 : vector<16xf32>
        %div3A_247 = arith.constant 1.000000e+00 : f32
        %div3A_248 = vector.broadcast %div3A_247 : f32 to vector<16xf32>
        %div3A_249 = arith.divf %div3A_248, %add3A_246 : vector<16xf32>
        %add3A_250 = arith.constant 2.000000e+00 : f32
        %add3A_251 = vector.broadcast %add3A_250 : f32 to vector<16xf32>
        %add3A_252 = arith.addf %add3A_251, %exp3A : vector<16xf32>
        %div3A_253 = arith.divf %exp3A, %add3A_252 : vector<16xf32>
        %mul3A_254 = arith.mulf %div3A_253, %div3A_253 : vector<16xf32>
        %mul3A_255 = arith.mulf %mul3A_254, %get3A_61 : vector<16xf32>
        %add3A_256 = arith.addf %get3A_56, %mul3A_255 : vector<16xf32>
        %mul3A_257 = arith.mulf %mul3A_254, %add3A_256 : vector<16xf32>
        %add3A_258 = arith.addf %get3A_51, %mul3A_257 : vector<16xf32>
        %mul3A_259 = arith.mulf %mul3A_254, %add3A_258 : vector<16xf32>
        %add3A_260 = arith.addf %get3A_46, %mul3A_259 : vector<16xf32>
        %mul3A_261 = arith.mulf %mul3A_254, %add3A_260 : vector<16xf32>
        %add3A_262 = arith.addf %get3A_41, %mul3A_261 : vector<16xf32>
        %mul3A_263 = arith.mulf %div3A_253, %add3A_262 : vector<16xf32>
        %mul3A_264 = arith.mulf %get3A_16, %div3A_243 : vector<16xf32>
        %mul3A_265 = arith.mulf %get3A_36, %div3A_249 : vector<16xf32>
        %add3A_266 = arith.addf %mul3A_264, %mul3A_265 : vector<16xf32>
        %sub3A = arith.subf %add3A_266, %get3A_21 : vector<16xf32>
        %mul3A_267 = arith.mulf %get3A_26, %exp3A : vector<16xf32>
        %add3A_268 = arith.addf %get3A_31, %mul3A_267 : vector<16xf32>
        %sub3A_269 = arith.subf %add3A_268, %add3A_266 : vector<16xf32>
        %ge3A_270 = arith.constant 0.000000e+00 : f32
        %ge3A_271 = vector.broadcast %ge3A_270 : f32 to vector<16xf32>
        %ge3A_272 = arith.cmpf oge, %get3A_235, %ge3A_271 : vector<16xf32>
        %select_n3A = arith.select %ge3A_272, %get3A_6, %get3A_11 : vector<16xi1>, vector<16xf32>
        %mul3A_273 = arith.mulf %select_n3A, %get3A_235 : vector<16xf32>
        %add3A_274 = arith.addf %mul3A_273, %mul3A_263 : vector<16xf32>
        %select_n3A_275 = arith.select %ge3A_272, %sub3A, %sub3A_269 : vector<16xi1>, vector<16xf32>
        %add3A_276 = arith.addf %add3A_274, %select_n3A_275 : vector<16xf32>
        %mul3A_277 = arith.constant 16 : i32
        %mul3A_278 = arith.muli %scan3A_227, %mul3A_277 : i32
        %swap3A = arith.constant 1 : i32
        %swap3A_279 = arith.index_cast %swap3A : i32 to index
        %swap3A_280 = arith.index_cast %mul3A_278 : i32 to index
        %swap3A_281 = tpu.vector_load %arg7[%swap3A_279, %swap3A_280] {strides = array<i32>} : memref<2x25600xf32, #tpu.memory_space<vmem>>, vector<1x16xf32>,
        %swap3A_282 = vector.shape_cast %swap3A_281 : vector<1x16xf32> to vector<16xf32>
        %swap3A_283 = vector.shape_cast %add3A_276 : vector<16xf32> to vector<1x16xf32>
        tpu.vector_store %arg7[%swap3A_279, %swap3A_280], %swap3A_283 {strides = array<i32>} : memref<2x25600xf32, #tpu.memory_space<vmem>>, vector<1x16xf32>,
        %scan3A_284 = arith.constant 0 : i32
        scf.yield %scan3A_284 : i32
      }
      %scan3A_203 = arith.constant 1600 : i32
      %mul3A_204 = arith.constant 25600 : i32
      %mul3A_205 = arith.muli %add3A_176, %mul3A_204 : i32
      %add3A_206 = arith.addi %mul3A_2, %mul3A_205 : i32
      %dma_start3A_207 = arith.constant 1 : i32
      %dma_start3A_208 = arith.constant 1 : i32
      %dma_start3A_209 = arith.constant 0 : i32
      %dma_start3A_210 = tpu.memref_slice %arg7[%dma_start3A_207, %dma_start3A_209] : memref<2x25600xf32, #tpu.memory_space<vmem>> -> memref<1x25600xf32, #tpu.memory_space<vmem>>
      %dma_start3A_211 = tpu.memref_squeeze %dma_start3A_210 : memref<1x25600xf32, #tpu.memory_space<vmem>> -> memref<25600xf32, #tpu.memory_space<vmem>>
      %dma_start3A_212 = tpu.memref_slice %arg4[%add3A_206] : memref<40960000xf32, #tpu.memory_space<hbm>> -> memref<25600xf32, #tpu.memory_space<hbm>>
      %dma_start3A_213 = tpu.memref_slice %arg9[%dma_start3A_208] : memref<2x!tpu.dma_semaphore, #tpu.memory_space<semaphore_mem>> -> memref<1x!tpu.dma_semaphore, #tpu.memory_space<semaphore_mem>>
      %dma_start3A_214 = tpu.memref_squeeze %dma_start3A_213 : memref<1x!tpu.dma_semaphore, #tpu.memory_space<semaphore_mem>> -> memref<!tpu.dma_semaphore, #tpu.memory_space<semaphore_mem>>
      %dma_start3A_215 = tpu.memref_slice %arg4[%add3A_206] : memref<40960000xf32, #tpu.memory_space<hbm>> -> memref<25600xf32, #tpu.memory_space<hbm>>
      %dma_start3A_216 = arith.constant 0 : i32
      %dma_start3A_217 = tpu.memref_slice %arg7[%dma_start3A_207, %dma_start3A_216] : memref<2x25600xf32, #tpu.memory_space<vmem>> -> memref<1x25600xf32, #tpu.memory_space<vmem>>
      %dma_start3A_218 = tpu.memref_squeeze %dma_start3A_217 : memref<1x25600xf32, #tpu.memory_space<vmem>> -> memref<25600xf32, #tpu.memory_space<vmem>>
      tpu.enqueue_dma source(%dma_start3A_218 : memref<25600xf32, #tpu.memory_space<vmem>>) target(%dma_start3A_215 : memref<25600xf32, #tpu.memory_space<hbm>>) target_semaphore(%dma_start3A_214 : memref<!tpu.dma_semaphore, #tpu.memory_space<semaphore_mem>>)
      %add3A_219 = arith.constant 2 : i32
      %add3A_220 = arith.addi %add3A_176, %add3A_219 : i32
      %lt3A_221 = arith.constant 50 : i32
      %lt3A_222 = arith.cmpi slt, %add3A_220, %lt3A_221 : i32
      %convert_element_type3A_223 = arith.extui %lt3A_222 : i1 to i32
      %cond3A_224 = arith.constant 0 : i32
      %cond3A_225 = arith.cmpi ne, %convert_element_type3A_223, %cond3A_224 : i32
      scf.if %cond3A_225 {
        %add3A_227 = arith.constant 2 : i32
        %add3A_228 = arith.addi %add3A_176, %add3A_227 : i32
        %mul3A_229 = arith.constant 25600 : i32
        %mul3A_230 = arith.muli %add3A_228, %mul3A_229 : i32
        %add3A_231 = arith.addi %mul3A_2, %mul3A_230 : i32
        %dma_start3A_232 = arith.constant 1 : i32
        %dma_start3A_233 = arith.constant 1 : i32
        %dma_start3A_234 = arith.constant 0 : i32
        %dma_start3A_235 = tpu.memref_slice %arg6[%dma_start3A_232, %dma_start3A_234] : memref<2x25600xf32, #tpu.memory_space<vmem>> -> memref<1x25600xf32, #tpu.memory_space<vmem>>
        %dma_start3A_236 = tpu.memref_squeeze %dma_start3A_235 : memref<1x25600xf32, #tpu.memory_space<vmem>> -> memref<25600xf32, #tpu.memory_space<vmem>>
        %dma_start3A_237 = tpu.memref_slice %arg3[%add3A_231] : memref<40960000xf32, #tpu.memory_space<hbm>> -> memref<25600xf32, #tpu.memory_space<hbm>>
        %dma_start3A_238 = tpu.memref_slice %arg8[%dma_start3A_233] : memref<2x!tpu.dma_semaphore, #tpu.memory_space<semaphore_mem>> -> memref<1x!tpu.dma_semaphore, #tpu.memory_space<semaphore_mem>>
        %dma_start3A_239 = tpu.memref_squeeze %dma_start3A_238 : memref<1x!tpu.dma_semaphore, #tpu.memory_space<semaphore_mem>> -> memref<!tpu.dma_semaphore, #tpu.memory_space<semaphore_mem>>
        %dma_start3A_240 = arith.constant 0 : i32
        %dma_start3A_241 = tpu.memref_slice %arg6[%dma_start3A_232, %dma_start3A_240] : memref<2x25600xf32, #tpu.memory_space<vmem>> -> memref<1x25600xf32, #tpu.memory_space<vmem>>
        %dma_start3A_242 = tpu.memref_squeeze %dma_start3A_241 : memref<1x25600xf32, #tpu.memory_space<vmem>> -> memref<25600xf32, #tpu.memory_space<vmem>>
        %dma_start3A_243 = tpu.memref_slice %arg3[%add3A_231] : memref<40960000xf32, #tpu.memory_space<hbm>> -> memref<25600xf32, #tpu.memory_space<hbm>>
        tpu.enqueue_dma source(%dma_start3A_243 : memref<25600xf32, #tpu.memory_space<hbm>>) target(%dma_start3A_242 : memref<25600xf32, #tpu.memory_space<vmem>>) target_semaphore(%dma_start3A_239 : memref<!tpu.dma_semaphore, #tpu.memory_space<semaphore_mem>>)
      } else {
      }
      %scan3A_226 = arith.constant 0 : i32
      scf.yield %scan3A_226 : i32
    }
    %scan3A_94 = arith.constant 25 : i32
    %add3A_95 = arith.constant 1228800 : i32
    %add3A_96 = arith.addi %mul3A_2, %add3A_95 : i32
    %dma_wait3A = arith.constant 0 : i32
    %dma_wait3A_97 = arith.constant 0 : i32
    %dma_wait3A_98 = arith.constant 0 : i32
    %dma_wait3A_99 = tpu.memref_slice %arg7[%dma_wait3A, %dma_wait3A_98] : memref<2x25600xf32, #tpu.memory_space<vmem>> -> memref<1x25600xf32, #tpu.memory_space<vmem>>
    %dma_wait3A_100 = tpu.memref_squeeze %dma_wait3A_99 : memref<1x25600xf32, #tpu.memory_space<vmem>> -> memref<25600xf32, #tpu.memory_space<vmem>>
    %dma_wait3A_101 = tpu.memref_slice %arg4[%add3A_96] : memref<40960000xf32, #tpu.memory_space<hbm>> -> memref<25600xf32, #tpu.memory_space<hbm>>
    %dma_wait3A_102 = tpu.memref_slice %arg9[%dma_wait3A_97] : memref<2x!tpu.dma_semaphore, #tpu.memory_space<semaphore_mem>> -> memref<1x!tpu.dma_semaphore, #tpu.memory_space<semaphore_mem>>
    %dma_wait3A_103 = tpu.memref_squeeze %dma_wait3A_102 : memref<1x!tpu.dma_semaphore, #tpu.memory_space<semaphore_mem>> -> memref<!tpu.dma_semaphore, #tpu.memory_space<semaphore_mem>>
    %dma_wait3A_104 = tpu.memref_slice %arg4[%add3A_96] : memref<40960000xf32, #tpu.memory_space<hbm>> -> memref<25600xf32, #tpu.memory_space<hbm>>
    %dma_wait3A_105 = arith.constant 0 : i32
    %dma_wait3A_106 = tpu.memref_slice %arg7[%dma_wait3A, %dma_wait3A_105] : memref<2x25600xf32, #tpu.memory_space<vmem>> -> memref<1x25600xf32, #tpu.memory_space<vmem>>
    %dma_wait3A_107 = tpu.memref_squeeze %dma_wait3A_106 : memref<1x25600xf32, #tpu.memory_space<vmem>> -> memref<25600xf32, #tpu.memory_space<vmem>>
    tpu.wait_dma2 semaphore(%dma_wait3A_103 : memref<!tpu.dma_semaphore, #tpu.memory_space<semaphore_mem>>) src(%dma_wait3A_107 : memref<25600xf32, #tpu.memory_space<vmem>>) dst(%dma_wait3A_104 : memref<25600xf32, #tpu.memory_space<hbm>>)
    %add3A_108 = arith.constant 1254400 : i32
    %add3A_109 = arith.addi %mul3A_2, %add3A_108 : i32
    %dma_wait3A_110 = arith.constant 1 : i32
    %dma_wait3A_111 = arith.constant 1 : i32
    %dma_wait3A_112 = arith.constant 0 : i32
    %dma_wait3A_113 = tpu.memref_slice %arg7[%dma_wait3A_110, %dma_wait3A_112] : memref<2x25600xf32, #tpu.memory_space<vmem>> -> memref<1x25600xf32, #tpu.memory_space<vmem>>
    %dma_wait3A_114 = tpu.memref_squeeze %dma_wait3A_113 : memref<1x25600xf32, #tpu.memory_space<vmem>> -> memref<25600xf32, #tpu.memory_space<vmem>>
    %dma_wait3A_115 = tpu.memref_slice %arg4[%add3A_109] : memref<40960000xf32, #tpu.memory_space<hbm>> -> memref<25600xf32, #tpu.memory_space<hbm>>
    %dma_wait3A_116 = tpu.memref_slice %arg9[%dma_wait3A_111] : memref<2x!tpu.dma_semaphore, #tpu.memory_space<semaphore_mem>> -> memref<1x!tpu.dma_semaphore, #tpu.memory_space<semaphore_mem>>
    %dma_wait3A_117 = tpu.memref_squeeze %dma_wait3A_116 : memref<1x!tpu.dma_semaphore, #tpu.memory_space<semaphore_mem>> -> memref<!tpu.dma_semaphore, #tpu.memory_space<semaphore_mem>>
    %dma_wait3A_118 = tpu.memref_slice %arg4[%add3A_109] : memref<40960000xf32, #tpu.memory_space<hbm>> -> memref<25600xf32, #tpu.memory_space<hbm>>
    %dma_wait3A_119 = arith.constant 0 : i32
    %dma_wait3A_120 = tpu.memref_slice %arg7[%dma_wait3A_110, %dma_wait3A_119] : memref<2x25600xf32, #tpu.memory_space<vmem>> -> memref<1x25600xf32, #tpu.memory_space<vmem>>
    %dma_wait3A_121 = tpu.memref_squeeze %dma_wait3A_120 : memref<1x25600xf32, #tpu.memory_space<vmem>> -> memref<25600xf32, #tpu.memory_space<vmem>>
    tpu.wait_dma2 semaphore(%dma_wait3A_117 : memref<!tpu.dma_semaphore, #tpu.memory_space<semaphore_mem>>) src(%dma_wait3A_121 : memref<25600xf32, #tpu.memory_space<vmem>>) dst(%dma_wait3A_118 : memref<25600xf32, #tpu.memory_space<hbm>>)
    return
  }
}

</mosaic_0001>

<sc_bundles>
// kernel: kernel.3.cloned.1.call-start
scs
__scs_entry_jumppad:
0x0: {  	(pc) =	sbr.rel $0x88, $3  }
0x1: {  	(tag) =	ssettag $0x0;
	lr =	simm.s32 $0x1  }
0x2: {  	[smem:$0x3F9F] =	sst lr;
	_ =	strace $0xD0000000  }
0x3: {  	_ = 	snop  }
0x4: {  	_ = 	snop  }
0x5: {  	_ = 	snop  }
0x6: {  	_ = 	snop  }
0x7: {  	_ = 	snop  }
__scs_overlays_trampoline_lowered:
0x8: {  	[smem:$0x3FAE] =	sst s0  }
0x9: {  	[smem:$0x3FAF] =	sst s1  }
0xa: {  	[smem:$0x3FB0] =	sst s2  }
0xb: {  	[smem:$0x3FB1] =	sst s3  }
0xc: {  	[smem:$0x3FB2] =	sst s4  }
0xd: {  	[smem:$0x3FB3] =	sst s5  }
0xe: {  	[smem:$0x3FB4] =	sst s6  }
0xf: {  	[smem:$0x3FB5] =	sst s7  }
0x10: {  	[smem:$0x3FB6] =	sst s8  }
0x11: {  	[smem:$0x3FB7] =	sst s9;
	s0 =	simm.s32 @!p0 $0x0  }
0x12: {  	s1 =	sld [smem:$0x3F9D];
	s0 =	simm.s32 @p0 $0x1  }
0x13: {  	[smem:$0x3FB8] =	sst s0;
	s0 =	simm.s32 @!p1 $0x0  }
0x14: {  	s2 =	sld [smem:$0x3F9C];
	s0 =	simm.s32 @p1 $0x1  }
0x15: {  	[smem:$0x3FB9] =	sst s0;
	s0 =	simm.s32 @!p2 $0x0  }
0x16: {  	s3 =	sld [smem:$0x3FDB];
	s0 =	simm.s32 @p2 $0x1  }
0x17: {  	s4 =	simm.s32 $0x1BF5;
	[smem:$0x3FBB] =	sst s0  }
0x18: {  	s0 =	sld [smem:$0x3F9E];
	_ =	swait.ge [sflag:s4], $0x0  }
0x19: {  	s7 =	sld [smem:$0x3F9F]  }
0x1a: {  	s8 =	sadd.s32 $0xFFFFE003, lr  }
0x1b: {  	s9 =	sadd.s32 $0xFFFFFEF7, lr;
	s5 =	simm.s32 $0xFFFFFFFF;
	p2 =	slt.u32 s8, $0xFFFFF086  }
0x1c: {  	p1 =	slt.u32 s9, $0xF7A;
	s5 =	simm.s32 @!p2 $0x0  }
0x1d: {  	s5 =	simm.s32 @p1 $0x1;
	p0 =	seq.s32 s7, s2  }
0x1e: {  	s7 =	smul.u32 @!p0 $0xF7A, s2;
	p2 =	seq.s32 @!p0 s5, $0x0  }
0x1f: {  	s9 =	smul.u32 $0xF7A, s1;
	s8 =	simm.s32 @!p0 $0x1BF5;
	p2 =	por !p2, p0  }
0x20: {  	[sflag:s8] =	ssyncset.s32 @!p0 $0xFFFFF086;
	s6 =	sadd.s32 @!p0 s3, s7;
	s7 =	simm.s32 @!p0 $0x108  }
0x21: {  	s3 =	sadd.s32 s3, s9;
	s6 =	sadd.s32 @!p0 $0x88, s6;
	s7 =	simm.s32 @p2 $0x1082  }
0x22: {  	[simem:s7], [sflag:s8] =	dma.local @!p0 [hbm:s6], $0xF7A  }
0x23: {  	s9 =	sor.u32 $0xD0000000, s2;
	s6 =	simm.s32 $0x108;
	_ =	swait.ge @!p0 [sflag:s8], $0x0  }
0x24: {  	s3 =	sadd.s32 $0x88, s3;
	s6 =	simm.s32 @!p1 $0x1082;
	[sflag:s4] =	ssyncset.s32 $0xFFFFF086  }
0x25: {  	[simem:s6], [sflag:s4] =	dma.local [hbm:s3], $0xF7A  }
0x26: {  	[smem:$0x3F9F] =	sst s1;
	(tag) =	ssettag s2;
	_ =	strace s9  }
0x27: {  	s1 =	sld [smem:$0x3FAF]  }
0x28: {  	s2 =	sld [smem:$0x3FB0]  }
0x29: {  	s4 =	sld [smem:$0x3FB2]  }
0x2a: {  	p0 =	seq.s32 s5, $0x0;
	s5 =	sld [smem:$0x3FB3]  }
0x2b: {  	s6 =	sld [smem:$0x3FB4]  }
0x2c: {  	s7 =	sld [smem:$0x3FB5]  }
0x2d: {  	s3 =	simm.s32 $0x108;
	s8 =	sld [smem:$0x3FB6]  }
0x2e: {  	s3 =	simm.s32 @!p0 $0x1082;
	s9 =	sld [smem:$0x3FB7]  }
0x2f: {  	lr =	sadd.s32 s0, s3;
	s0 =	sld [smem:$0x3FAE]  }
0x30: {  	s3 =	sld [smem:$0x3FB1]  }
0x31: {  	[smem:$0x3FBA] =	sst s10  }
0x32: {  	s10 =	sld [smem:$0x3FB8];
	_ =	sdelay $0x3  }
0x33: {  	p0 =	seq.s32 s10, $0x1;
	s10 =	sld [smem:$0x3FBA];
	_ =	sdelay $0x3  }
0x34: {  	[smem:$0x3FBA] =	sst s10  }
0x35: {  	s10 =	sld [smem:$0x3FB9];
	_ =	sdelay $0x3  }
0x36: {  	p1 =	seq.s32 s10, $0x1;
	s10 =	sld [smem:$0x3FBA];
	_ =	sdelay $0x3  }
0x37: {  	[smem:$0x3FBA] =	sst s10  }
0x38: {  	s10 =	sld [smem:$0x3FBB]  }
0x39: {  	_ = 	snop;
	(pc) =	sbr.ind lr, $3  }
0x3a: {  	_ = 	snop  }
0x3b: {  	_ = 	snop  }
0x3c: {  	p2 =	seq.s32 s10, $0x1;
	s10 =	sld [smem:$0x3FBA]  }
0x3d: {  	_ =	shalt  }
0x3e: {  	_ =	shalt  }
0x3f: {  	_ =	shalt  }
0x40: {  	_ =	shalt  }
0x41: {  	_ =	shalt  }
0x42: {  	_ =	shalt  }
0x43: {  	_ =	shalt  }
0x44: {  	_ =	shalt  }
0x45: {  	_ =	shalt  }
0x46: {  	_ =	shalt  }
0x47: {  	_ =	shalt  }
0x48: {  	_ =	shalt  }
0x49: {  	_ =	shalt  }
0x4a: {  	_ =	shalt  }
0x4b: {  	_ =	shalt  }
0x4c: {  	_ =	shalt  }
0x4d: {  	_ =	shalt  }
0x4e: {  	_ =	shalt  }
0x4f: {  	_ =	shalt  }
0x50: {  	_ =	shalt  }
0x51: {  	_ =	shalt  }
0x52: {  	_ =	shalt  }
0x53: {  	_ =	shalt  }
0x54: {  	_ =	shalt  }
0x55: {  	_ =	shalt  }
0x56: {  	_ =	shalt  }
0x57: {  	_ =	shalt  }
0x58: {  	_ =	shalt  }
0x59: {  	_ =	shalt  }
0x5a: {  	_ =	shalt  }
0x5b: {  	_ =	shalt  }
0x5c: {  	_ =	shalt  }
0x5d: {  	_ =	shalt  }
0x5e: {  	_ =	shalt  }
0x5f: {  	_ =	shalt  }
0x60: {  	_ =	shalt  }
0x61: {  	_ =	shalt  }
0x62: {  	_ =	shalt  }
0x63: {  	_ =	shalt  }
0x64: {  	_ =	shalt  }
0x65: {  	_ =	shalt  }
0x66: {  	_ =	shalt  }
0x67: {  	_ =	shalt  }
0x68: {  	_ =	shalt  }
0x69: {  	_ =	shalt  }
0x6a: {  	_ =	shalt  }
0x6b: {  	_ =	shalt  }
0x6c: {  	_ =	shalt  }
0x6d: {  	_ =	shalt  }
0x6e: {  	_ =	shalt  }
0x6f: {  	_ =	shalt  }
0x70: {  	_ =	shalt  }
0x71: {  	_ =	shalt  }
0x72: {  	_ =	shalt  }
0x73: {  	_ =	shalt  }
0x74: {  	_ =	shalt  }
0x75: {  	_ =	shalt  }
0x76: {  	_ =	shalt  }
0x77: {  	_ =	shalt  }
0x78: {  	_ =	shalt  }
0x79: {  	_ =	shalt  }
0x7a: {  	_ =	shalt  }
0x7b: {  	_ =	shalt  }
0x7c: {  	_ =	shalt  }
0x7d: {  	_ =	shalt  }
0x7e: {  	_ =	shalt  }
0x7f: {  	_ =	shalt  }
0x80: {  	_ =	shalt  }
0x81: {  	_ =	shalt  }
0x82: {  	_ =	shalt  }
0x83: {  	_ =	shalt  }
0x84: {  	_ =	shalt  }
0x85: {  	_ =	shalt  }
0x86: {  	_ =	shalt  }
0x87: {  	_ =	shalt  }
.Lfunc_end0:
.L_simem_size_0:
called_computation_lowered:
.L_overlay_start_0:
0x88: {  	s2 =	sld [smem:$0x3FD9]  }
0x89: {  	s3 =	sld [smem:$0x3FFE];
	_ =	sdelay $0x1  }
0x8a: {  	s1 =	srdreg.scid  }
0x8b: {  	s0 =	sand.u32 $0x1, s1  }
0x8c: {  	s17 =	sshll.u32 s0, $0xA;
	s2 =	sadd.s32 s3, s2  }
0x8d: {  	s2 =	sadd.s32 s2, s17  }
0x8e: {  	[smem:$0x3FC6] =	sst s2  }
0x8f: {  	_ = 	snop  }
0x90: {  	s2 =	sld [smem:$0x3FC9]  }
0x91: {  	s18 =	sld [smem:$0x3FD0];
	(tm) =	ssettm $0x1  }
0x92: {  	s4 =	sld [smem:$0x3FFB];
	_ =	sdelay $0x3  }
0x93: {  	_ =	strace s4  }
0x94: {  	s4 =	sld [smem:$0x3FFC];
	_ =	sdelay $0x3  }
0x95: {  	_ =	strace s4  }
0x96: {  	s4 =	sld [smem:$0x3FFD];
	_ =	sdelay $0x3  }
0x97: {  	_ =	strace s4  }
0x98: {  	_ =	strace $0x8FFFFFFF  }
0x99: {  	s19 =	sld [smem:$0x3FDB];
	_ =	sdelay $0x1  }
0x9a: {  	s5 =	simm.s32 $_scs_section_size  }
0x9b: {  	s6 =	simm.s32 $_size__tile_overlayer_lowered;
	s7 =	simm.s32 $_tile_overlayer_lowered  }
0x9c: {  	s22 =	simm.s32 $0x1BFF;
	s21 =	sshll.u32 s7, $0x1;
	s4 =	sadd.s32 s5, s19  }
0x9d: {  	s8 =	simm.s32 $0x0;
	s20 =	sshll.u32 s6, $0x1;
	s6 =	sadd.s32 s21, s4  }
0x9e: {  	[timem:s8], [sflag:s22] =	dma.local [hbm:s6], s20  }
0x9f: {  	_ =	swait.ge [sflag:s22], s20  }
0xa0: {  	s5 =	ssub.s32 $0x0, s20;
	[sflag:s22] =	ssyncset.done $0x0  }
0xa1: {  	[sflag:s22] =	ssyncadd.s32 s5;
	_ =	sdelay $0x1  }
0xa2: {  	s23 =	simm.s32 $0x1B8B  }
0xa3: {  	_ =	swait.ge [sflag:s23], $0x1  }
0xa4: {  	[sflag:s23] =	ssyncset.done $0x0  }
0xa5: {  	s25 =	simm.s32 $0x1B8E;
	s24 =	sld [smem:$0x3FFE];
	[sflag:s23] =	ssyncadd.s32 $0xFFFFFFFF  }
0xa6: {  	s26 =	simm.s32 $execute0_lowered;
	[smem:$0x3FD2] =	sst s25  }
0xa7: {  	s6 =	sshll.u32 s26, $0x1;
	_ =	strace $0x80000046;
	[dreg:$0x1] =	wrdreg $0xFFFFFFFF  }
0xa8: {  	s28 =	simm.s32 $_size_execute0_lowered;
	s4 =	sadd.s32 s4, s6;
	[dreg:$0x0] =	wrdreg $0x0  }
0xa9: {  	s6 =	sshll.u32 s28, $0x1;
	[dreg:$0x2] =	wrdreg s4  }
0xaa: {  	[dreg:$0x3] =	wrdreg s6  }
0xab: {  	[dreg:$0x4] =	wrdreg $0xC0  }
0xac: {  	_ =	task [dreg:s8], $0x5FFFF  }
0xad: {  	[dreg:$0x1] =	wrdreg $0xFFFFFFFF  }
0xae: {  	[dreg:$0x0] =	wrdreg $0x60  }
0xaf: {  	[dreg:$0x2] =	wrdreg s24  }
0xb0: {  	[dreg:$0x3] =	wrdreg s2  }
0xb1: {  	[dreg:$0x4] =	wrdreg s18  }
0xb2: {  	[dreg:$0x5] =	wrdreg $0x9  }
0xb3: {  	_ =	task.clear_ibuf [dreg:s8], $0x6FFFF;
	_ =	strace $0x90000046  }
0xb4: {  	s29 =	simm.s32 $0x9;
	_ =	strace $0x80000048  }
0xb5: {  	_ =	swait.ge [sflag:s29], $0x1  }
0xb6: {  	[sflag:s29] =	ssyncadd.s32 $0xFFFFFFFF  }
0xb7: {  	_ =	strace $0x90000048  }
0xb8: {  	_ =	sfence  }
0xb9: {  	s30 =	sld [smem:$0x0];
	_ =	sdelay $0x2  }
0xba: {  	s31 =	sshll.u32 s1, $0xD;
	s1 =	sshrl.u32 s1, $0x2  }
0xbb: {  	s3 =	sand.u32 $0x4000, s31;
	s1 =	sadd.s32 s1, s30  }
0xbc: {  	s0 =	sor.u32 s3, s0;
	s1 =	sshll.u32 s1, $0x11  }
0xbd: {  	s0 =	sor.u32 s1, s0  }
0xbe: {  	s0 =	sadd.s32 $0x8F2B, s0  }
0xbf: {  	[sflag:s0] =	ssyncadd.remote.s32 $0x1  }
0xc0: {  	_ =	sfence.sel $0xFFFF  }
0xc1: {  	[dreg:$0x0] =	wrdreg $0xFFFFFFFF;
	(pc) =	sbr.abs _section_cstart, $3  }
0xc2: {  	[dreg:$0x1] =	wrdreg $0xFFFFFFFF  }
0xc3: {  	_ =	task.clear_ibuf [dreg:s8], $0x2FFFF;
	_ =	strace $0x9FFFFFFF  }
0xc4: {  	(tm) =	ssettm $0x7FFFFFFF  }
0xc5: {  	_ =	shalt  }
tec
execute0_lowered:
.L_overlay_start_1:
0x0: {  	(tag) =	ssettag $0x1  }
0x1: {  	s6 =	rddreg [dreg:$0x0]  }
0x2: {  	s2 =	rddreg [dreg:$0x1]  }
0x3: {  	s1 =	srdreg.scid;
	s0 =	stileid.u32  }
0x4: {  	s3 =	rddreg [dreg:$0x2];
	s4 =	simm.s32 $0x0;
	s13 =	simm.s32 $0x5  }
0x5: {  	s14 =	simm.s32 $0x1;
	s7 =	sand.u32 $0x1, s1;
	s5 =	sshll.u32 s0, $0x1  }
0x6: {  	s15 =	simm.s32 $0x2;
	s16 =	simm.s32 $0x3;
	s5 =	sor.u32 s7, s5  }
0x7: {  	s17 =	simm.s32 $0x4;
	s18 =	simm.s32 $0x0;
	s5 =	smul.u32 $0x138800, s5  }
.Ltmp0:
0x8: {  	[smem:$0x7FF] =	sst s4;
	s8 =	ssub.s32 $0x2, s7;
	(pc) =	sbr.rel .LBB2_1-.Ltmp0, $4  }
0x9: {  	s6 =	sadd.s32 $0x600, s6;
	_ =	strace $0x80000047;
	s9 =	sshrl.u32 s8, $0x1  }
0xa: {  	s12 =	ssub.s32 s8, s9;
	s7 =	sadd.s32 $0x6400, s5;
	s10 =	sshrl.u32 s5, $0x3  }
0xb: {  	s12 =	smax.u32 s12, $0x1;
	s11 =	sshrl.u32 s7, $0x3;
	s8 =	sadd.s32 s2, s10  }
0xc: {  	s10 =	sadd.s32 $0xC800, s5;
	s9 =	sadd.s32 s2, s11;
	s11 =	sadd.s32 $0x12C00, s5  }
.LBB2_22:
0xd: {  	s18 =	sadd.s32 $0x1, s18  }
0xe: {  	_ =	swait.ge [sflag:s16], $0x6400;
	p0 =	sne.s32 s18, s12  }
.Ltmp1:
0xf: {  	[sflag:s16] =	ssyncset.done $0x0;
	(pc) =	sbr.rel @!p0 .LBB2_23-.Ltmp1, $4  }
0x10: {  	[sflag:s16] =	ssyncadd.s32 $0xFFFF9C00  }
0x11: {  	_ =	swait.ge [sflag:s17], $0x6400  }
0x12: {  	[sflag:s17] =	ssyncset.done $0x0  }
0x13: {  	[sflag:s17] =	ssyncadd.s32 $0xFFFF9C00  }
.LBB2_1:
0x14: {  	[tilespmem:s4], [sflag:$0x5] =	stream.linear.gather [hbm4b:s6+s4], $0x600, $0x38;
	[tilespmem:$0x19800] =	vst v63  }
0x15: {  	_ =	swait.ge [sflag:s13], $0x600  }
0x16: {  	[sflag:s13] =	ssyncset.done $0x0  }
0x17: {  	[sflag:s13] =	ssyncadd.s32 $0xFFFFFA00  }
0x18: {  	v0 =	vld [tilespmem:$0x0]  }
0x19: {  	v1 =	vld [tilespmem:$0x80]  }
0x1a: {  	v2 =	vld [tilespmem:$0x100]  }
0x1b: {  	v3 =	vld [tilespmem:$0x180]  }
0x1c: {  	v4 =	vld [tilespmem:$0x200]  }
0x1d: {  	v5 =	vld [tilespmem:$0x280]  }
0x1e: {  	v6 =	vld [tilespmem:$0x300]  }
0x1f: {  	v9 =	vld [tilespmem:$0x480]  }
0x20: {  	v7 =	vld [tilespmem:$0x380]  }
0x21: {  	v8 =	vld [tilespmem:$0x400]  }
0x22: {  	s19 =	simm.s32 $0x800;
	v10 =	vld [tilespmem:$0x500]  }
0x23: {  	s20 =	simm.s32 $0x10;
	s22 =	sadd.s32 $0x0, s8;
	s21 =	simm.s32 $0x900;
	v11 =	vld [tilespmem:$0x580]  }
.LBB2_2:
0x24: {  	[tilespmem:s19], [sflag:$0x1] =	stream.linear.gather [hbm4b:s22+s4], $0x80, $0x38;
	[tilespmem:$0x19800] =	vst v63  }
0x25: {  	s22 =	smov.u32 s20;
	s19 =	smov.u32 s21;
	p0 =	sne.s32 s20, $0xC70  }
.Ltmp2:
0x26: {  	s20 =	sadd.s32 $0x10, s20;
	(pc) =	sbr.rel @p0 .LBB2_2-.Ltmp2, $2  }
0x27: {  	_ =	sdelay $0x2  }
0x28: {  	s21 =	sadd.s32 $0x100, s21;
	s22 =	sadd.s32 s22, s8  }
0x29: {  	[tilespmem:s19], [sflag:$0x1] =	stream.linear.gather [hbm4b:s22+s4], $0x80, $0x38;
	[tilespmem:$0x19800] =	vst v63  }
0x2a: {  	s19 =	simm.s32 $0x0;
	s20 =	simm.s32 $0x880  }
0x2b: {  	s21 =	simm.s32 $0x10;
	s23 =	sadd.s32 $0x0, s9;
	s22 =	simm.s32 $0x980  }
.LBB2_4:
0x2c: {  	[tilespmem:s20], [sflag:$0x2] =	stream.linear.gather [hbm4b:s23+s19], $0x80, $0x38;
	[tilespmem:$0x19800] =	vst v63  }
0x2d: {  	s23 =	smov.u32 s21;
	s20 =	smov.u32 s22;
	p0 =	sne.s32 s21, $0xC70  }
.Ltmp3:
0x2e: {  	s21 =	sadd.s32 $0x10, s21;
	(pc) =	sbr.rel @p0 .LBB2_4-.Ltmp3, $2  }
0x2f: {  	_ =	sdelay $0x2  }
0x30: {  	s22 =	sadd.s32 $0x100, s22;
	s23 =	sadd.s32 s23, s9  }
0x31: {  	[tilespmem:s20], [sflag:$0x2] =	stream.linear.gather [hbm4b:s23+s19], $0x80, $0x38;
	[tilespmem:$0x19800] =	vst v63  }
.LBB2_6:
0x32: {  	_ =	swait.ge [sflag:s14], $0x6400  }
0x33: {  	p0 =	seq.s32 s19, $0x0;
	[sflag:s14] =	ssyncset.done $0x0  }
0x34: {  	s20 =	simm.s32 @!p0 $0x3;
	[sflag:s14] =	ssyncadd.s32 $0xFFFF9C00  }
0x35: {  	s21 =	simm.s32 $0x0;
	_ =	swait.ge @!p0 [sflag:s20], $0x6400  }
0x36: {  	s22 =	sand.u32 $0x70, s21;
	s21 =	sand.u32 $0xFF00, s21;
	[sflag:s20] =	ssyncset.done @!p0 $0x0  }
0x37: {  	s21 =	sor.u32 s22, s21;
	[sflag:s20] =	ssyncadd.s32 @!p0 $0xFFFF9C00  }
0x38: {  	v15 =	vld [tilespmem:s21+$0x800];
	_ =	sdelay $0x2  }
0x39: {  	s23 =	simm.s32 $0x20;
	s22 =	simm.s32 $0x10  }
0x3a: {  	s20 =	sand.u32 $0x70, s22;
	s22 =	sand.u32 $0xFF00, s23  }
0x3b: {  	s22 =	sor.u32 s20, s22;
	v12 =	vand.u32 $0x7FFFFFFF, v15  }
0x3c: {  	v21 =	vld [tilespmem:s22+$0x800];
	v12 =	vsub.f32 $0.0e+00, v12;
	_ =	sdelay $0x1  }
0x3d: {  	v12 =	vmul.f32 $1.442695020e+00, v12;
	_ =	sdelay $0x1  }
0x3e: {  	(erf) = vpow2.f32 v12  }
0x3f: {  	v12 =	vand.u32 $0x7FFFFFFF, v21  }
0x40: {  	v12 =	vsub.f32 $0.0e+00, v12;
	_ =	sdelay $0x1  }
0x41: {  	s24 =	simm.s32 $0x20;
	s23 =	simm.s32 $0x40;
	v12 =	vmul.f32 $1.442695020e+00, v12  }
0x42: {  	s20 =	sand.u32 $0x70, s24;
	s23 =	sand.u32 $0xFF00, s23  }
0x43: {  	s23 =	sor.u32 s20, s23;
	(erf) = vpow2.f32 v12  }
0x44: {  	v14 =	vld [tilespmem:s23+$0x800];
	_ =	sdelay $0x1  }
0x45: {  	v16 =	vpop (erf)  }
0x46: {  	v12 =	vmul.f32 v16, v16  }
0x47: {  	v17 =	vadd.f32 $1.000000000e+00, v16  }
0x48: {  	v13 =	vand.u32 $0x7FFFFFFF, v14;
	v12 =	vadd.f32 $1.000000000e+00, v12  }
0x49: {  	v13 =	vsub.f32 $0.0e+00, v13;
	(erf) = vrcp.f32 v17  }
0x4a: {  	s25 =	simm.s32 $0x30;
	s24 =	simm.s32 $0x60;
	(erf) = vrcp.f32 v12  }
0x4b: {  	s20 =	sand.u32 $0x70, s25;
	s24 =	sand.u32 $0xFF00, s24;
	v13 =	vmul.f32 $1.442695020e+00, v13;
	v20 =	vpop (erf)  }
0x4c: {  	s24 =	sor.u32 s20, s24;
	v17 =	vmul.f32 v20, v20  }
0x4d: {  	v12 =	vld [tilespmem:s24+$0x800];
	(erf) = vpow2.f32 v13;
	v13 =	vadd.f32 $2.000000000e+00, v16  }
0x4e: {  	v18 =	vadd.f32 $1.000000000e+00, v20;
	v17 =	vadd.f32 $1.000000000e+00, v17  }
0x4f: {  	(erf) = vrcp.f32 v13  }
0x50: {  	(erf) = vrcp.f32 v18  }
0x51: {  	(erf) = vrcp.f32 v17  }
0x52: {  	v13 =	vand.u32 $0x7FFFFFFF, v12;
	v17 =	vpop (erf)  }
0x53: {  	v13 =	vsub.f32 $0.0e+00, v13;
	v18 =	vpop (erf)  }
0x54: {  	v17 =	vmul.f32 v17, v2;
	v18 =	vmul.f32 v18, v6  }
0x55: {  	v13 =	vmul.f32 $1.442695020e+00, v13  }
0x56: {  	s26 =	simm.s32 $0x40;
	s25 =	simm.s32 $0x80;
	v19 =	vmul.f32 v16, v4;
	v22 =	vadd.f32 $2.000000000e+00, v20;
	v28 =	vpop (erf);
	v18 =	vadd.f32 v18, v17  }
0x57: {  	s20 =	sand.u32 $0x70, s26;
	s25 =	sand.u32 $0xFF00, s25;
	(erf) = vpow2.f32 v13;
	v23 =	vmul.f32 v28, v28;
	v24 =	vadd.f32 $1.000000000e+00, v28  }
0x58: {  	s25 =	sor.u32 s20, s25;
	v19 =	vadd.f32 v19, v5;
	(erf) = vrcp.f32 v22;
	v17 =	vpop (erf)  }
0x59: {  	v13 =	vld [tilespmem:s25+$0x800];
	v23 =	vadd.f32 $1.000000000e+00, v23;
	v25 =	vpop (erf);
	v17 =	vmul.f32 v17, v16;
	(erf) = vrcp.f32 v24  }
0x5a: {  	v22 =	vsub.f32 v18, v3;
	v16 =	vsub.f32 v19, v18;
	v19 =	vmul.f32 v25, v2;
	v18 =	vpop (erf)  }
0x5b: {  	(erf) = vrcp.f32 v23;
	v18 =	vmul.f32 v18, v6  }
0x5c: {  	vm0 =	vge.f32 v15, $0.0e+00;
	v26 =	vmul.f32 v17, v17  }
0x5d: {  	vm14 =	vge.f32 v21, $0.0e+00;
	v23 =	vmul.f32 v20, v4;
	v19 =	vadd.f32 v18, v19  }
0x5e: {  	v16 =	vsel vm0, v22, v16;
	v22 =	vmul.f32 v26, v11;
	v18 =	vand.u32 $0x7FFFFFFF, v13  }
0x5f: {  	v24 =	vsel vm0, v0, v1;
	v23 =	vadd.f32 v23, v5;
	v25 =	vsub.f32 $0.0e+00, v18  }
0x60: {  	v27 =	vmul.f32 v28, v4;
	v18 =	vmul.f32 v24, v15;
	v15 =	vadd.f32 v22, v10  }
0x61: {  	v29 =	vsub.f32 v19, v3;
	v23 =	vsub.f32 v23, v19;
	v24 =	vmul.f32 $1.442695020e+00, v25;
	v19 =	vpop (erf)  }
0x62: {  	s30 =	simm.s32 $0x50;
	s26 =	simm.s32 $0xA0;
	v15 =	vmul.f32 v15, v26;
	v25 =	vadd.f32 $2.000000000e+00, v28;
	v22 =	vpop (erf);
	v30 =	vmul.f32 v19, v19  }
0x63: {  	s20 =	sand.u32 $0x70, s30;
	s26 =	sand.u32 $0xFF00, s26;
	v31 =	vadd.f32 $1.000000000e+00, v19;
	(erf) = vpow2.f32 v24;
	v32 =	vpop (erf);
	v22 =	vmul.f32 v22, v20  }
0x64: {  	s26 =	sor.u32 s20, s26;
	(erf) = vrcp.f32 v25;
	v20 =	vpop (erf);
	v32 =	vmul.f32 v32, v2;
	v30 =	vadd.f32 $1.000000000e+00, v30  }
0x65: {  	v24 =	vadd.f32 v15, v9;
	v15 =	vld [tilespmem:s26+$0x800];
	(erf) = vrcp.f32 v31;
	v31 =	vmul.f32 v20, v6  }
0x66: {  	v33 =	vsel vm14, v0, v1;
	v25 =	vmul.f32 v22, v22;
	(erf) = vrcp.f32 v30  }
0x67: {  	v20 =	vsel vm14, v29, v23;
	v30 =	vmul.f32 v24, v26;
	v29 =	vadd.f32 v31, v32  }
0x68: {  	vm15 =	vge.f32 v14, $0.0e+00;
	v27 =	vadd.f32 v27, v5;
	v31 =	vmul.f32 v25, v11  }
0x69: {  	v24 =	vmul.f32 v33, v21;
	v21 =	vadd.f32 v30, v8;
	v32 =	vsub.f32 v29, v3  }
0x6a: {  	v30 =	vand.u32 $0x7FFFFFFF, v15;
	v29 =	vsub.f32 v27, v29;
	v31 =	vadd.f32 v31, v10  }
0x6b: {  	v23 =	vmul.f32 v19, v4;
	v30 =	vsub.f32 $0.0e+00, v30;
	v63 =	vmul.f32 v21, v26  }
0x6c: {  	s20 =	smul.u32 $0xC800, s19;
	v27 =	vsel vm15, v0, v1;
	v26 =	vpop (erf);
	v21 =	vsel vm15, v32, v29;
	v31 =	vmul.f32 v31, v25  }
0x6d: {  	v35 =	vmul.f32 $1.442695020e+00, v30;
	v32 =	vadd.f32 $2.000000000e+00, v19;
	v36 =	vpop (erf);
	v30 =	vadd.f32 v63, v7  }
0x6e: {  	s31 =	simm.s32 $0x60;
	s29 =	simm.s32 $0xC0;
	s28 =	sadd.s32 s5, s20;
	v34 =	vmul.f32 v26, v26;
	v33 =	vadd.f32 $1.000000000e+00, v26;
	v29 =	vpop (erf);
	v28 =	vmul.f32 v36, v28  }
.LBB2_7:
0x6f: {  	(erf) = vpow2.f32 v35;
	v35 =	vpop (erf);
	v31 =	vadd.f32 v31, v9;
	s30 =	smov.u32 s31  }
0x70: {  	s1 =	sand.u32 $0x70, s31;
	s0 =	sand.u32 $0xFF00, s29;
	v30 =	vmul.f32 v30, v17;
	v36 =	vmovc v25;
	v37 =	vmovc v19;
	v19 =	vmov v26;
	v17 =	vmov v22;
	s30 =	sadd.s32 $0x10, s31  }
0x71: {  	p1 =	sne.s32 s31, $0x63F0;
	v26 =	vmul.f32 v29, v2;
	s0 =	sor.u32 s1, s0;
	v25 =	vadd.f32 $1.000000000e+00, v34;
	v22 =	vmovc v28;
	(erf) = vrcp.f32 v32  }
0x72: {  	v32 =	vmul.f32 v35, v6;
	v30 =	vadd.f32 v30, v18;
	v18 =	vmovc v24;
	v29 =	vld [tilespmem:s0+$0x800];
	(erf) = vrcp.f32 v33  }
0x73: {  	(erf) = vrcp.f32 v25;
	v25 =	vmul.f32 v28, v22  }
0x74: {  	v26 =	vadd.f32 v32, v26;
	v28 =	vmul.f32 v31, v36;
	v30 =	vadd.f32 v30, v16;
	v16 =	vmovc v20  }
0x75: {  	v31 =	vadd.f32 v23, v5;
	v23 =	vmul.f32 v19, v4;
	v20 =	vmovc v21;
	v32 =	vmul.f32 v25, v11  }
0x76: {  	v24 =	vmul.f32 v27, v14;
	v21 =	vsub.f32 v26, v3;
	v27 =	vadd.f32 v28, v8;
	[tilespmem:s21+$0xD000] =	vst v30;
	s21 =	smov.u32 s22;
	s22 =	smov.u32 s23;
	s23 =	smov.u32 s24  }
.Ltmp4:
0x77: {  	v14 =	vmovc v12;
	v12 =	vmovc v13;
	v30 =	vsub.f32 v31, v26;
	s24 =	smov.u32 s25;
	s25 =	smov.u32 s26;
	v28 =	vand.u32 $0x7FFFFFFF, v29;
	v31 =	vadd.f32 v32, v10;
	(pc) =	sbr.rel @p1 .LBB2_7-.Ltmp4, $4  }
0x78: {  	v13 =	vmovc v15;
	vm0 =	vge.f32 v14, $0.0e+00;
	s26 =	smov.u32 s0;
	v33 =	vmul.f32 v27, v36;
	v15 =	vmovc v29;
	v34 =	vsub.f32 $0.0e+00, v28  }
0x79: {  	v27 =	vsel vm0, v0, v1;
	v21 =	vsel vm0, v21, v30;
	v26 =	vpop (erf);
	v31 =	vmul.f32 v31, v25  }
0x7a: {  	v32 =	vadd.f32 $2.000000000e+00, v19;
	v30 =	vadd.f32 v33, v7;
	v35 =	vmul.f32 $1.442695020e+00, v34;
	v28 =	vpop (erf)  }
0x7b: {  	s29 =	sadd.s32 $0x20, s29;
	s31 =	smov.u32 s30;
	v34 =	vmul.f32 v26, v26;
	v33 =	vadd.f32 $1.000000000e+00, v26;
	v29 =	vpop (erf);
	v28 =	vmul.f32 v28, v37  }
0x7c: {  	(erf) = vpow2.f32 v35;
	_ =	sdelay $0x7  }
0x7d: {  	v41 =	vpop (erf)  }
0x7e: {  	v34 =	vadd.f32 $1.000000000e+00, v34;
	(erf) = vrcp.f32 v32;
	v32 =	vpop (erf)  }
0x7f: {  	v42 =	vadd.f32 $2.000000000e+00, v26;
	(erf) = vrcp.f32 v33;
	v36 =	vmul.f32 v32, v32  }
0x80: {  	(erf) = vrcp.f32 v34;
	v43 =	vadd.f32 $1.000000000e+00, v32  }
0x81: {  	(erf) = vrcp.f32 v42;
	v36 =	vadd.f32 $1.000000000e+00, v36  }
0x82: {  	v44 =	vadd.f32 $2.000000000e+00, v32;
	(erf) = vrcp.f32 v43  }
0x83: {  	v37 =	vmul.f32 v28, v28;
	(erf) = vrcp.f32 v36  }
0x84: {  	(erf) = vrcp.f32 v44  }
0x85: {  	v31 =	vadd.f32 v31, v9;
	v45 =	vmul.f32 v37, v11;
	_ =	sdelay $0x1  }
0x86: {  	v17 =	vmul.f32 v30, v17;
	v31 =	vmul.f32 v31, v25;
	v46 =	vadd.f32 v45, v10;
	v47 =	vpop (erf)  }
0x87: {  	v29 =	vmul.f32 v29, v2;
	v14 =	vmul.f32 v27, v14;
	v48 =	vpop (erf)  }
0x88: {  	v23 =	vadd.f32 v23, v5;
	v31 =	vadd.f32 v31, v8;
	v33 =	vmul.f32 v46, v37;
	v50 =	vpop (erf)  }
0x89: {  	vm0 =	vge.f32 v12, $0.0e+00;
	vm1 =	vge.f32 v13, $0.0e+00;
	v52 =	vmul.f32 v41, v6;
	v53 =	vpop (erf)  }
0x8a: {  	v45 =	vsel vm0, v0, v1;
	v49 =	vmul.f32 v31, v25;
	v51 =	vadd.f32 v33, v9;
	v56 =	vpop (erf)  }
0x8b: {  	vm2 =	vge.f32 v15, $0.0e+00;
	v46 =	vmul.f32 v45, v12;
	v54 =	vmul.f32 v47, v19;
	v58 =	vpop (erf)  }
0x8c: {  	v25 =	vadd.f32 v49, v7;
	v55 =	vmul.f32 v51, v37;
	v27 =	vmul.f32 v53, v26;
	v59 =	vpop (erf)  }
0x8d: {  	v17 =	vadd.f32 v17, v18;
	v60 =	vmul.f32 v54, v54;
	v34 =	vmul.f32 v59, v32  }
0x8e: {  	v22 =	vmul.f32 v25, v22;
	v19 =	vadd.f32 v55, v8;
	v61 =	vmul.f32 v27, v27  }
0x8f: {  	v29 =	vadd.f32 v52, v29;
	v62 =	vmul.f32 v60, v11;
	v63 =	vmul.f32 v34, v34  }
0x90: {  	v16 =	vadd.f32 v17, v16;
	v19 =	vmul.f32 v19, v37;
	v39 =	vmul.f32 v61, v11  }
0x91: {  	v22 =	vadd.f32 v22, v24;
	v40 =	vadd.f32 v62, v10;
	v41 =	vmul.f32 v63, v11  }
0x92: {  	v42 =	vmul.f32 v26, v4;
	v19 =	vadd.f32 v19, v7;
	v43 =	vadd.f32 v39, v10  }
0x93: {  	v20 =	vadd.f32 v22, v20;
	v22 =	vmul.f32 v40, v60;
	v24 =	vadd.f32 v41, v10  }
0x94: {  	v23 =	vsub.f32 v23, v29;
	v19 =	vmul.f32 v19, v28;
	v44 =	vmul.f32 v43, v61  }
0x95: {  	v47 =	vsub.f32 v29, v3;
	v22 =	vadd.f32 v22, v9;
	v24 =	vmul.f32 v24, v63  }
0x96: {  	v57 =	vmul.f32 v48, v2;
	v14 =	vadd.f32 v19, v14;
	v19 =	vadd.f32 v44, v9  }
0x97: {  	v48 =	vmul.f32 v32, v4;
	v22 =	vmul.f32 v22, v60;
	v24 =	vadd.f32 v24, v9  }
0x98: {  	v31 =	vmul.f32 v50, v6;
	v26 =	vadd.f32 v42, v5;
	v19 =	vmul.f32 v19, v61  }
0x99: {  	v52 =	vadd.f32 v48, v5;
	v22 =	vadd.f32 v22, v8;
	v24 =	vmul.f32 v24, v63  }
0x9a: {  	v53 =	vsel vm1, v0, v1;
	v25 =	vadd.f32 v31, v57;
	v19 =	vadd.f32 v19, v8  }
0x9b: {  	v30 =	vmul.f32 v56, v2;
	v17 =	vmul.f32 v22, v60;
	v50 =	vadd.f32 v24, v8  }
0x9c: {  	v55 =	vmul.f32 v53, v13;
	v56 =	vsel vm2, v0, v1;
	v19 =	vmul.f32 v19, v61  }
0x9d: {  	v49 =	vmul.f32 v58, v6;
	v17 =	vadd.f32 v17, v7;
	v22 =	vmul.f32 v50, v63  }
0x9e: {  	v57 =	vmul.f32 v56, v15;
	v26 =	vsub.f32 v26, v25;
	v19 =	vadd.f32 v19, v7  }
0x9f: {  	v51 =	vadd.f32 v49, v30;
	v17 =	vmul.f32 v17, v54;
	v54 =	vadd.f32 v22, v7  }
0xa0: {  	v25 =	vsub.f32 v25, v3;
	v14 =	vadd.f32 v14, v21;
	v19 =	vmul.f32 v19, v27  }
0xa1: {  	v30 =	vsub.f32 v51, v3;
	v12 =	vadd.f32 v17, v46;
	v58 =	vmul.f32 v54, v34  }
0xa2: {  	[tilespmem:s21+$0xD000] =	vst v16;
	v59 =	vsel vm0, v47, v23;
	v60 =	vsub.f32 v52, v51;
	v13 =	vadd.f32 v19, v55  }
0xa3: {  	[tilespmem:s22+$0xD000] =	vst v20;
	v12 =	vadd.f32 v12, v59;
	v61 =	vsel vm1, v25, v26;
	v15 =	vadd.f32 v58, v57  }
0xa4: {  	[tilespmem:s23+$0xD000] =	vst v14;
	v62 =	vsel vm2, v30, v60;
	v13 =	vadd.f32 v13, v61  }
0xa5: {  	s0 =	sshrl.u32 s28, $0x3;
	[tilespmem:s24+$0xD000] =	vst v12;
	v63 =	vadd.f32 v15, v62  }
0xa6: {  	s21 =	sadd.s32 s3, s0;
	s22 =	simm.s32 $0xD000;
	[tilespmem:s25+$0xD000] =	vst v13  }
0xa7: {  	s23 =	simm.s32 $0x10;
	s24 =	simm.s32 $0xD100;
	s25 =	sadd.s32 $0x0, s21;
	[tilespmem:s26+$0xD000] =	vst v63  }
.LBB2_9:
0xa8: {  	[hbm4b:s25+s4] =	stream.linear.scatter [tilespmem:s22], [sflag:$0x3], $0x80, $0x38;
	[tilespmem:$0x19800] =	vst v63  }
0xa9: {  	s0 =	smov.u32 s23;
	s22 =	smov.u32 s24;
	p1 =	sne.s32 s23, $0xC70  }
.Ltmp5:
0xaa: {  	s23 =	sadd.s32 $0x10, s23;
	(pc) =	sbr.rel @p1 .LBB2_9-.Ltmp5, $2  }
0xab: {  	_ =	sdelay $0x2  }
0xac: {  	s24 =	sadd.s32 $0x100, s24;
	s25 =	sadd.s32 s0, s21  }
0xad: {  	p1 =	seq.s32 s19, $0x18  }
.Ltmp6:
0xae: {  	_ = 	snop;
	(pc) =	sbr.rel @p1 .LBB2_14-.Ltmp6, $2  }
0xaf: {  	_ =	sdelay $0x2  }
0xb0: {  	[hbm4b:s25+s4] =	stream.linear.scatter [tilespmem:s22], [sflag:$0x3], $0x80, $0x38;
	[tilespmem:$0x19800] =	vst v63  }
0xb1: {  	s0 =	sadd.s32 s20, s10  }
0xb2: {  	s0 =	sshrl.u32 s0, $0x3  }
0xb3: {  	s22 =	simm.s32 $0x800;
	s21 =	sadd.s32 s2, s0  }
0xb4: {  	s23 =	simm.s32 $0x10;
	s24 =	simm.s32 $0x900;
	s25 =	sadd.s32 $0x0, s21  }
.LBB2_12:
0xb5: {  	[tilespmem:s22], [sflag:$0x1] =	stream.linear.gather [hbm4b:s25+s4], $0x80, $0x38;
	[tilespmem:$0x19800] =	vst v63  }
0xb6: {  	s0 =	smov.u32 s23;
	s22 =	smov.u32 s24;
	p2 =	sne.s32 s23, $0xC70  }
.Ltmp7:
0xb7: {  	s23 =	sadd.s32 $0x10, s23;
	(pc) =	sbr.rel @p2 .LBB2_12-.Ltmp7, $2  }
0xb8: {  	_ =	sdelay $0x2  }
0xb9: {  	s24 =	sadd.s32 $0x100, s24;
	s25 =	sadd.s32 s0, s21  }
0xba: {  	[tilespmem:s22], [sflag:$0x1] =	stream.linear.gather [hbm4b:s25+s4], $0x80, $0x38;
	[tilespmem:$0x19800] =	vst v63  }
.LBB2_14:
0xbb: {  	_ =	swait.ge [sflag:s15], $0x6400  }
0xbc: {  	[sflag:s15] =	ssyncset.done $0x0  }
0xbd: {  	s0 =	simm.s32 @!p0 $0x4;
	[sflag:s15] =	ssyncadd.s32 $0xFFFF9C00  }
0xbe: {  	s1 =	simm.s32 $0x0;
	_ =	swait.ge @!p0 [sflag:s0], $0x6400  }
0xbf: {  	s21 =	sand.u32 $0x70, s1;
	s1 =	sand.u32 $0xFF00, s1;
	[sflag:s0] =	ssyncset.done @!p0 $0x0  }
0xc0: {  	s21 =	sor.u32 s1, s21;
	[sflag:s0] =	ssyncadd.s32 @!p0 $0xFFFF9C00  }
0xc1: {  	v15 =	vld [tilespmem:s21+$0x880];
	_ =	sdelay $0x2  }
0xc2: {  	s22 =	simm.s32 $0x10;
	s23 =	simm.s32 $0x20  }
0xc3: {  	s1 =	sand.u32 $0xFF00, s23;
	s0 =	sand.u32 $0x70, s22  }
0xc4: {  	s22 =	sor.u32 s1, s0;
	v12 =	vand.u32 $0x7FFFFFFF, v15  }
0xc5: {  	v21 =	vld [tilespmem:s22+$0x880];
	v12 =	vsub.f32 $0.0e+00, v12;
	_ =	sdelay $0x1  }
0xc6: {  	v12 =	vmul.f32 $1.442695020e+00, v12;
	_ =	sdelay $0x1  }
0xc7: {  	(erf) = vpow2.f32 v12  }
0xc8: {  	v12 =	vand.u32 $0x7FFFFFFF, v21  }
0xc9: {  	v12 =	vsub.f32 $0.0e+00, v12;
	_ =	sdelay $0x1  }
0xca: {  	s24 =	simm.s32 $0x20;
	s25 =	simm.s32 $0x40;
	v12 =	vmul.f32 $1.442695020e+00, v12  }
0xcb: {  	s0 =	sand.u32 $0x70, s24;
	s1 =	sand.u32 $0xFF00, s25  }
0xcc: {  	s23 =	sor.u32 s1, s0;
	(erf) = vpow2.f32 v12  }
0xcd: {  	v14 =	vld [tilespmem:s23+$0x880];
	_ =	sdelay $0x1  }
0xce: {  	v16 =	vpop (erf)  }
0xcf: {  	v12 =	vmul.f32 v16, v16  }
0xd0: {  	v17 =	vadd.f32 $1.000000000e+00, v16  }
0xd1: {  	v13 =	vand.u32 $0x7FFFFFFF, v14;
	v12 =	vadd.f32 $1.000000000e+00, v12  }
0xd2: {  	v13 =	vsub.f32 $0.0e+00, v13;
	(erf) = vrcp.f32 v17  }
0xd3: {  	s26 =	simm.s32 $0x30;
	s30 =	simm.s32 $0x60;
	(erf) = vrcp.f32 v12  }
0xd4: {  	s0 =	sand.u32 $0x70, s26;
	s1 =	sand.u32 $0xFF00, s30;
	v13 =	vmul.f32 $1.442695020e+00, v13;
	v20 =	vpop (erf)  }
0xd5: {  	s24 =	sor.u32 s1, s0;
	v17 =	vmul.f32 v20, v20  }
0xd6: {  	v12 =	vld [tilespmem:s24+$0x880];
	(erf) = vpow2.f32 v13;
	v13 =	vadd.f32 $2.000000000e+00, v16  }
0xd7: {  	v18 =	vadd.f32 $1.000000000e+00, v20;
	v17 =	vadd.f32 $1.000000000e+00, v17  }
0xd8: {  	(erf) = vrcp.f32 v13  }
0xd9: {  	(erf) = vrcp.f32 v18  }
0xda: {  	(erf) = vrcp.f32 v17  }
0xdb: {  	v13 =	vand.u32 $0x7FFFFFFF, v12;
	v17 =	vpop (erf)  }
0xdc: {  	v13 =	vsub.f32 $0.0e+00, v13;
	v18 =	vpop (erf)  }
0xdd: {  	v17 =	vmul.f32 v17, v2;
	v18 =	vmul.f32 v18, v6  }
0xde: {  	v13 =	vmul.f32 $1.442695020e+00, v13  }
0xdf: {  	s25 =	simm.s32 $0x80;
	s1 =	simm.s32 $0x40;
	v19 =	vmul.f32 v16, v4;
	v22 =	vadd.f32 $2.000000000e+00, v20;
	v28 =	vpop (erf);
	v18 =	vadd.f32 v18, v17  }
0xe0: {  	s0 =	sand.u32 $0x70, s1;
	s1 =	sand.u32 $0xFF00, s25;
	(erf) = vpow2.f32 v13;
	v23 =	vmul.f32 v28, v28;
	v24 =	vadd.f32 $1.000000000e+00, v28  }
0xe1: {  	s25 =	sor.u32 s1, s0;
	v19 =	vadd.f32 v19, v5;
	(erf) = vrcp.f32 v22;
	v17 =	vpop (erf)  }
0xe2: {  	v13 =	vld [tilespmem:s25+$0x880];
	v23 =	vadd.f32 $1.000000000e+00, v23;
	v25 =	vpop (erf);
	v17 =	vmul.f32 v17, v16;
	(erf) = vrcp.f32 v24  }
0xe3: {  	v22 =	vsub.f32 v18, v3;
	v16 =	vsub.f32 v19, v18;
	v19 =	vmul.f32 v25, v2;
	v18 =	vpop (erf)  }
0xe4: {  	(erf) = vrcp.f32 v23;
	v18 =	vmul.f32 v18, v6  }
0xe5: {  	vm0 =	vge.f32 v15, $0.0e+00;
	v26 =	vmul.f32 v17, v17  }
0xe6: {  	vm14 =	vge.f32 v21, $0.0e+00;
	v23 =	vmul.f32 v20, v4;
	v19 =	vadd.f32 v18, v19  }
0xe7: {  	v16 =	vsel vm0, v22, v16;
	v22 =	vmul.f32 v26, v11;
	v18 =	vand.u32 $0x7FFFFFFF, v13  }
0xe8: {  	v24 =	vsel vm0, v0, v1;
	v23 =	vadd.f32 v23, v5;
	v25 =	vsub.f32 $0.0e+00, v18  }
0xe9: {  	v27 =	vmul.f32 v28, v4;
	v18 =	vmul.f32 v24, v15;
	v15 =	vadd.f32 v22, v10  }
0xea: {  	v29 =	vsub.f32 v19, v3;
	v23 =	vsub.f32 v23, v19;
	v24 =	vmul.f32 $1.442695020e+00, v25;
	v19 =	vpop (erf)  }
0xeb: {  	s26 =	simm.s32 $0x50;
	s30 =	simm.s32 $0xA0;
	v15 =	vmul.f32 v15, v26;
	v25 =	vadd.f32 $2.000000000e+00, v28;
	v22 =	vpop (erf);
	v30 =	vmul.f32 v19, v19  }
0xec: {  	s0 =	sand.u32 $0x70, s26;
	s1 =	sand.u32 $0xFF00, s30;
	v31 =	vadd.f32 $1.000000000e+00, v19;
	(erf) = vpow2.f32 v24;
	v32 =	vpop (erf);
	v22 =	vmul.f32 v22, v20  }
0xed: {  	s26 =	sor.u32 s1, s0;
	(erf) = vrcp.f32 v25;
	v20 =	vpop (erf);
	v32 =	vmul.f32 v32, v2;
	v30 =	vadd.f32 $1.000000000e+00, v30  }
0xee: {  	v24 =	vadd.f32 v15, v9;
	v15 =	vld [tilespmem:s26+$0x880];
	(erf) = vrcp.f32 v31;
	v31 =	vmul.f32 v20, v6  }
0xef: {  	v33 =	vsel vm14, v0, v1;
	v25 =	vmul.f32 v22, v22;
	(erf) = vrcp.f32 v30  }
0xf0: {  	v20 =	vsel vm14, v29, v23;
	v30 =	vmul.f32 v24, v26;
	v29 =	vadd.f32 v31, v32  }
0xf1: {  	vm15 =	vge.f32 v14, $0.0e+00;
	v27 =	vadd.f32 v27, v5;
	v31 =	vmul.f32 v25, v11  }
0xf2: {  	v24 =	vmul.f32 v33, v21;
	v21 =	vadd.f32 v30, v8;
	v32 =	vsub.f32 v29, v3  }
0xf3: {  	v30 =	vand.u32 $0x7FFFFFFF, v15;
	v29 =	vsub.f32 v27, v29;
	v31 =	vadd.f32 v31, v10  }
0xf4: {  	v23 =	vmul.f32 v19, v4;
	v30 =	vsub.f32 $0.0e+00, v30;
	v63 =	vmul.f32 v21, v26  }
0xf5: {  	v27 =	vsel vm15, v0, v1;
	v26 =	vpop (erf);
	v21 =	vsel vm15, v32, v29;
	v31 =	vmul.f32 v31, v25  }
0xf6: {  	v35 =	vmul.f32 $1.442695020e+00, v30;
	v32 =	vadd.f32 $2.000000000e+00, v19;
	v36 =	vpop (erf);
	v30 =	vadd.f32 v63, v7  }
0xf7: {  	s28 =	sadd.s32 s20, s7;
	s31 =	simm.s32 $0x60;
	s29 =	simm.s32 $0xC0;
	v34 =	vmul.f32 v26, v26;
	v33 =	vadd.f32 $1.000000000e+00, v26;
	v29 =	vpop (erf);
	v28 =	vmul.f32 v36, v28  }
.LBB2_15:
0xf8: {  	(erf) = vpow2.f32 v35;
	v35 =	vpop (erf);
	v31 =	vadd.f32 v31, v9;
	s30 =	smov.u32 s31  }
0xf9: {  	s0 =	sand.u32 $0x70, s31;
	s1 =	sand.u32 $0xFF00, s29;
	v30 =	vmul.f32 v30, v17;
	v36 =	vmovc v25;
	v37 =	vmovc v19;
	v19 =	vmov v26;
	v17 =	vmov v22;
	s30 =	sadd.s32 $0x10, s31  }
0xfa: {  	p0 =	sne.s32 s31, $0x63F0;
	v26 =	vmul.f32 v29, v2;
	s0 =	sor.u32 s1, s0;
	v25 =	vadd.f32 $1.000000000e+00, v34;
	v22 =	vmovc v28;
	(erf) = vrcp.f32 v32  }
0xfb: {  	v32 =	vmul.f32 v35, v6;
	v30 =	vadd.f32 v30, v18;
	v18 =	vmovc v24;
	v29 =	vld [tilespmem:s0+$0x880];
	(erf) = vrcp.f32 v33  }
0xfc: {  	(erf) = vrcp.f32 v25;
	v25 =	vmul.f32 v28, v22  }
0xfd: {  	v26 =	vadd.f32 v32, v26;
	v28 =	vmul.f32 v31, v36;
	v30 =	vadd.f32 v30, v16;
	v16 =	vmovc v20  }
0xfe: {  	v31 =	vadd.f32 v23, v5;
	v23 =	vmul.f32 v19, v4;
	v20 =	vmovc v21;
	v32 =	vmul.f32 v25, v11  }
0xff: {  	v24 =	vmul.f32 v27, v14;
	v21 =	vsub.f32 v26, v3;
	v27 =	vadd.f32 v28, v8;
	[tilespmem:s21+$0xD080] =	vst v30;
	s21 =	smov.u32 s22;
	s22 =	smov.u32 s23;
	s23 =	smov.u32 s24  }
.Ltmp8:
0x100: {  	v14 =	vmovc v12;
	v12 =	vmovc v13;
	v30 =	vsub.f32 v31, v26;
	s24 =	smov.u32 s25;
	s25 =	smov.u32 s26;
	v28 =	vand.u32 $0x7FFFFFFF, v29;
	v31 =	vadd.f32 v32, v10;
	(pc) =	sbr.rel @p0 .LBB2_15-.Ltmp8, $4  }
0x101: {  	v13 =	vmovc v15;
	vm0 =	vge.f32 v14, $0.0e+00;
	s26 =	smov.u32 s0;
	v33 =	vmul.f32 v27, v36;
	v15 =	vmovc v29;
	v34 =	vsub.f32 $0.0e+00, v28  }
0x102: {  	v27 =	vsel vm0, v0, v1;
	v21 =	vsel vm0, v21, v30;
	v26 =	vpop (erf);
	v31 =	vmul.f32 v31, v25  }
0x103: {  	v32 =	vadd.f32 $2.000000000e+00, v19;
	v30 =	vadd.f32 v33, v7;
	v35 =	vmul.f32 $1.442695020e+00, v34;
	v28 =	vpop (erf)  }
0x104: {  	s29 =	sadd.s32 $0x20, s29;
	s31 =	smov.u32 s30;
	v34 =	vmul.f32 v26, v26;
	v33 =	vadd.f32 $1.000000000e+00, v26;
	v29 =	vpop (erf);
	v28 =	vmul.f32 v28, v37  }
0x105: {  	(erf) = vpow2.f32 v35;
	_ =	sdelay $0x7  }
0x106: {  	v41 =	vpop (erf)  }
0x107: {  	v34 =	vadd.f32 $1.000000000e+00, v34;
	(erf) = vrcp.f32 v32;
	v32 =	vpop (erf)  }
0x108: {  	v42 =	vadd.f32 $2.000000000e+00, v26;
	(erf) = vrcp.f32 v33;
	v36 =	vmul.f32 v32, v32  }
0x109: {  	(erf) = vrcp.f32 v34;
	v43 =	vadd.f32 $1.000000000e+00, v32  }
0x10a: {  	(erf) = vrcp.f32 v42;
	v36 =	vadd.f32 $1.000000000e+00, v36  }
0x10b: {  	v44 =	vadd.f32 $2.000000000e+00, v32;
	(erf) = vrcp.f32 v43  }
0x10c: {  	v37 =	vmul.f32 v28, v28;
	(erf) = vrcp.f32 v36  }
0x10d: {  	(erf) = vrcp.f32 v44  }
0x10e: {  	v31 =	vadd.f32 v31, v9;
	v45 =	vmul.f32 v37, v11;
	_ =	sdelay $0x1  }
0x10f: {  	v17 =	vmul.f32 v30, v17;
	v31 =	vmul.f32 v31, v25;
	v46 =	vadd.f32 v45, v10;
	v47 =	vpop (erf)  }
0x110: {  	v29 =	vmul.f32 v29, v2;
	v14 =	vmul.f32 v27, v14;
	v48 =	vpop (erf)  }
0x111: {  	v23 =	vadd.f32 v23, v5;
	v31 =	vadd.f32 v31, v8;
	v33 =	vmul.f32 v46, v37;
	v50 =	vpop (erf)  }
0x112: {  	vm0 =	vge.f32 v12, $0.0e+00;
	vm1 =	vge.f32 v13, $0.0e+00;
	v52 =	vmul.f32 v41, v6;
	v53 =	vpop (erf)  }
0x113: {  	v45 =	vsel vm0, v0, v1;
	v49 =	vmul.f32 v31, v25;
	v51 =	vadd.f32 v33, v9;
	v56 =	vpop (erf)  }
0x114: {  	vm2 =	vge.f32 v15, $0.0e+00;
	v46 =	vmul.f32 v45, v12;
	v54 =	vmul.f32 v47, v19;
	v58 =	vpop (erf)  }
0x115: {  	v25 =	vadd.f32 v49, v7;
	v55 =	vmul.f32 v51, v37;
	v27 =	vmul.f32 v53, v26;
	v59 =	vpop (erf)  }
0x116: {  	v17 =	vadd.f32 v17, v18;
	v60 =	vmul.f32 v54, v54;
	v34 =	vmul.f32 v59, v32  }
0x117: {  	v22 =	vmul.f32 v25, v22;
	v19 =	vadd.f32 v55, v8;
	v61 =	vmul.f32 v27, v27  }
0x118: {  	v29 =	vadd.f32 v52, v29;
	v62 =	vmul.f32 v60, v11;
	v63 =	vmul.f32 v34, v34  }
0x119: {  	v16 =	vadd.f32 v17, v16;
	v19 =	vmul.f32 v19, v37;
	v39 =	vmul.f32 v61, v11  }
0x11a: {  	v22 =	vadd.f32 v22, v24;
	v40 =	vadd.f32 v62, v10;
	v41 =	vmul.f32 v63, v11  }
0x11b: {  	v42 =	vmul.f32 v26, v4;
	v19 =	vadd.f32 v19, v7;
	v43 =	vadd.f32 v39, v10  }
0x11c: {  	v20 =	vadd.f32 v22, v20;
	v22 =	vmul.f32 v40, v60;
	v24 =	vadd.f32 v41, v10  }
0x11d: {  	v23 =	vsub.f32 v23, v29;
	v19 =	vmul.f32 v19, v28;
	v44 =	vmul.f32 v43, v61  }
0x11e: {  	v47 =	vsub.f32 v29, v3;
	v22 =	vadd.f32 v22, v9;
	v24 =	vmul.f32 v24, v63  }
0x11f: {  	v57 =	vmul.f32 v48, v2;
	v14 =	vadd.f32 v19, v14;
	v19 =	vadd.f32 v44, v9  }
0x120: {  	v48 =	vmul.f32 v32, v4;
	v22 =	vmul.f32 v22, v60;
	v24 =	vadd.f32 v24, v9  }
0x121: {  	v31 =	vmul.f32 v50, v6;
	v26 =	vadd.f32 v42, v5;
	v19 =	vmul.f32 v19, v61  }
0x122: {  	v52 =	vadd.f32 v48, v5;
	v22 =	vadd.f32 v22, v8;
	v24 =	vmul.f32 v24, v63  }
0x123: {  	v53 =	vsel vm1, v0, v1;
	v25 =	vadd.f32 v31, v57;
	v19 =	vadd.f32 v19, v8  }
0x124: {  	v30 =	vmul.f32 v56, v2;
	v17 =	vmul.f32 v22, v60;
	v50 =	vadd.f32 v24, v8  }
0x125: {  	v55 =	vmul.f32 v53, v13;
	v56 =	vsel vm2, v0, v1;
	v19 =	vmul.f32 v19, v61  }
0x126: {  	v49 =	vmul.f32 v58, v6;
	v17 =	vadd.f32 v17, v7;
	v22 =	vmul.f32 v50, v63  }
0x127: {  	v57 =	vmul.f32 v56, v15;
	v26 =	vsub.f32 v26, v25;
	v19 =	vadd.f32 v19, v7  }
0x128: {  	v51 =	vadd.f32 v49, v30;
	v17 =	vmul.f32 v17, v54;
	v54 =	vadd.f32 v22, v7  }
0x129: {  	v25 =	vsub.f32 v25, v3;
	v14 =	vadd.f32 v14, v21;
	v19 =	vmul.f32 v19, v27  }
0x12a: {  	v30 =	vsub.f32 v51, v3;
	v12 =	vadd.f32 v17, v46;
	v58 =	vmul.f32 v54, v34  }
0x12b: {  	[tilespmem:s21+$0xD080] =	vst v16;
	v59 =	vsel vm0, v47, v23;
	v60 =	vsub.f32 v52, v51;
	v13 =	vadd.f32 v19, v55  }
0x12c: {  	[tilespmem:s22+$0xD080] =	vst v20;
	v12 =	vadd.f32 v12, v59;
	v61 =	vsel vm1, v25, v26;
	v15 =	vadd.f32 v58, v57  }
0x12d: {  	[tilespmem:s23+$0xD080] =	vst v14;
	v62 =	vsel vm2, v30, v60;
	v13 =	vadd.f32 v13, v61  }
0x12e: {  	s0 =	sshrl.u32 s28, $0x3;
	[tilespmem:s24+$0xD080] =	vst v12;
	v63 =	vadd.f32 v15, v62  }
0x12f: {  	s21 =	sadd.s32 s3, s0;
	s22 =	simm.s32 $0xD080;
	[tilespmem:s25+$0xD080] =	vst v13  }
0x130: {  	s23 =	simm.s32 $0x10;
	s24 =	simm.s32 $0xD180;
	s25 =	sadd.s32 $0x0, s21;
	[tilespmem:s26+$0xD080] =	vst v63  }
.LBB2_17:
0x131: {  	[hbm4b:s25+s4] =	stream.linear.scatter [tilespmem:s22], [sflag:$0x4], $0x80, $0x38;
	[tilespmem:$0x19800] =	vst v63  }
0x132: {  	s0 =	smov.u32 s23;
	s22 =	smov.u32 s24;
	p0 =	sne.s32 s23, $0xC70  }
.Ltmp9:
0x133: {  	s23 =	sadd.s32 $0x10, s23;
	(pc) =	sbr.rel @p0 .LBB2_17-.Ltmp9, $2  }
0x134: {  	_ =	sdelay $0x2  }
0x135: {  	s24 =	sadd.s32 $0x100, s24;
	s25 =	sadd.s32 s0, s21  }
.Ltmp10:
0x136: {  	(pc) =	sbr.rel @p1 .LBB2_22-.Ltmp10, $2  }
0x137: {  	_ =	sdelay $0x2  }
0x138: {  	[hbm4b:s25+s4] =	stream.linear.scatter [tilespmem:s22], [sflag:$0x4], $0x80, $0x38;
	[tilespmem:$0x19800] =	vst v63  }
0x139: {  	s0 =	sadd.s32 s20, s11  }
0x13a: {  	s0 =	sshrl.u32 s0, $0x3  }
0x13b: {  	s21 =	simm.s32 $0x880;
	s20 =	sadd.s32 s2, s0  }
0x13c: {  	s22 =	simm.s32 $0x10;
	s23 =	simm.s32 $0x980;
	s24 =	sadd.s32 $0x0, s20  }
.LBB2_20:
0x13d: {  	[tilespmem:s21], [sflag:$0x2] =	stream.linear.gather [hbm4b:s24+s4], $0x80, $0x38;
	[tilespmem:$0x19800] =	vst v63  }
0x13e: {  	s0 =	smov.u32 s22;
	s21 =	smov.u32 s23;
	p0 =	sne.s32 s22, $0xC70  }
.Ltmp11:
0x13f: {  	s22 =	sadd.s32 $0x10, s22;
	(pc) =	sbr.rel @p0 .LBB2_20-.Ltmp11, $2  }
0x140: {  	_ =	sdelay $0x2  }
0x141: {  	s23 =	sadd.s32 $0x100, s23;
	s24 =	sadd.s32 s0, s20  }
.Ltmp12:
0x142: {  	(pc) =	sbr.rel .LBB2_6-.Ltmp12, $3  }
0x143: {  	_ =	sdelay $0x1  }
0x144: {  	[tilespmem:s21], [sflag:$0x2] =	stream.linear.gather [hbm4b:s24+s4], $0x80, $0x38;
	[tilespmem:$0x19800] =	vst v63  }
0x145: {  	s19 =	sadd.s32 $0x1, s19  }
.LBB2_23:
0x146: {  	_ =	sfence.sel $0x180000  }
0x147: {  	[bflag:$0x0] =	sbarrier.arrive $0xFFFF  }
0x148: {  	_ =	strace $0x90000047  }
0x149: {  	s0 =	stileid.u32;
	[bflag:$0x2] =	sbarrier.arrive $0xFFFF  }
0x14a: {  	p0 =	sne.s32 s0, $0x0;
	s0 =	rddreg [dreg:$0x3]  }
0x14b: {  	s0 =	sadd.s32 @!p0 $0x100000, s0  }
0x14c: {  	[sflag:s0] =	ssyncadd.tile.s32 @!p0 $0x1;
	_ =	shalt  }
.Lfunc_end2:
_tile_overlayer_lowered:
.L_overlay_start_2:
0x14d: {  	(tag) =	ssettag $0x2  }
0x14e: {  	s0 =	rddreg [dreg:$0x0];
	s2 =	stileid.u32  }
0x14f: {  	s1 =	rddreg [dreg:$0x1];
	p0 =	sne.s32 s2, $0x0  }
0x150: {  	s3 =	rddreg [dreg:$0x2];
	[bflag:$0x3] =	sbarrier.arrive $0xFFFF;
	s2 =	simm.s32 @!p0 $0x1C05  }
0x151: {  	[timem:s3], [sflag:s2] =	dma.local @!p0 [hbm:s0], s1  }
0x152: {  	s0 =	simm.s32 @!p0 $0x5  }
0x153: {  	_ =	swait.ge @!p0 [sflag:s0], s1  }
0x154: {  	s1 =	ssub.s32 @!p0 $0x0, s1;
	[sflag:s0] =	ssyncset.done @!p0 $0x0  }
0x155: {  	[sflag:s0] =	ssyncadd.s32 @!p0 s1  }
0x156: {  	[bflag:$0x3] =	sbarrier.arrive $0xFFFF  }
0x157: {  	_ =	shalt  }

</sc_bundles>
